<compile_context>
chip_gen: v7x
topology: tpu7x:2x2x1
jax: 0.10.2.dev20260603
libtpu: 0.0.44.dev20260713+nightly
codegen_flags: <defaults>
</compile_context>

<pallas_src>
import jax
import jax.numpy as jnp
from jax import lax
from jax.experimental import pallas as pl
from jax.experimental.pallas import tpu as pltpu
from jax.experimental.pallas import tpu_sc as plsc

B = 128
S = 64
V = 50000
WD = 300
CV = 100
CD = 15
LW = 16
NF = 100
DE = 300
LH = 300
NC = 4

NTOK = 3 * B * S
XW = 640
NW = 32
ROWS_PER_W = NTOK // NW
CHUNK = 128
NCHUNK = ROWS_PER_W // CHUNK


def _sc_gather_body(glove_hbm, w2v_hbm, tail_hbm, idx_hbm, out_hbm,
                    idx_v, rows_v, sem):
    wid = lax.axis_index("s") * 2 + lax.axis_index("c")
    base = wid * ROWS_PER_W
    pltpu.sync_copy(idx_hbm.at[pl.ds(base, ROWS_PER_W)], idx_v)

    def chunk_body(i, _):
        off = i * CHUNK
        ix = idx_v.at[pl.ds(off, CHUNK)]
        c0 = pltpu.async_copy(glove_hbm.at[ix, pl.ds(0, 128)],
                              rows_v.at[:, pl.ds(0, 128)], sem)
        c1 = pltpu.async_copy(glove_hbm.at[ix, pl.ds(128, 128)],
                              rows_v.at[:, pl.ds(128, 128)], sem)
        c2 = pltpu.async_copy(w2v_hbm.at[ix, pl.ds(0, 128)],
                              rows_v.at[:, pl.ds(256, 128)], sem)
        c3 = pltpu.async_copy(w2v_hbm.at[ix, pl.ds(128, 128)],
                              rows_v.at[:, pl.ds(384, 128)], sem)
        c4 = pltpu.async_copy(tail_hbm.at[ix], rows_v.at[:, pl.ds(512, 128)],
                              sem)
        c0.wait()
        c1.wait()
        c2.wait()
        c3.wait()
        c4.wait()
        pltpu.sync_copy(rows_v, out_hbm.at[pl.ds(base + off, CHUNK)])
        return ()

    lax.fori_loop(0, NCHUNK, chunk_body, ())


def _sc_gather(glove_w, w2v_w, tail_cat, idx):
    mesh = plsc.VectorSubcoreMesh(core_axis_name="c", subcore_axis_name="s")
    f = pl.kernel(
        _sc_gather_body,
        out_type=jax.ShapeDtypeStruct((NTOK, XW), jnp.float32),
        mesh=mesh,
        scratch_types=[
            pltpu.VMEM((ROWS_PER_W,), jnp.int32),
            pltpu.VMEM((CHUNK, XW), jnp.float32),
            pltpu.SemaphoreType.DMA,
        ],
    )
    return f(glove_w, w2v_w, tail_cat, idx)


TROWS = 2000


def _tail_body(g_ref, w_ref, o_ref):
    z = jnp.zeros((TROWS, 128 - 2 * (WD - 256)), jnp.float32)
    o_ref[:, :] = jnp.concatenate(
        [g_ref[:, 0:WD - 256], w_ref[:, 0:WD - 256], z], axis=1)


def _tail_pack(glove_w, w2v_w):
    return pl.pallas_call(
        _tail_body,
        grid=(V // TROWS,),
        in_specs=[pl.BlockSpec((TROWS, 128), lambda i: (i, 2)),
                  pl.BlockSpec((TROWS, 128), lambda i: (i, 2))],
        out_specs=pl.BlockSpec((TROWS, 128), lambda i: (i, 0)),
        out_shape=jax.ShapeDtypeStruct((V, 128), jnp.float32),
    )(glove_w, w2v_w)


BB = 16
TOK = BB * S
NBB = B // BB


def _enc_body(x_ref, ch_ref, mask_ref, cnt_ref,
              char_w_ref, conv_w_ref, conv_b_ref, wp_ref, bp_ref,
              u_ref):
    ch = ch_ref[0].reshape(TOK * LW, 1)
    oh = (ch == lax.broadcasted_iota(jnp.int32, (1, CV), 1)).astype(jnp.float32)
    e = jnp.dot(oh, char_w_ref[:, :], preferred_element_type=jnp.float32)
    q0 = jnp.dot(e, conv_w_ref[0], preferred_element_type=jnp.float32)
    q1 = jnp.dot(e, conv_w_ref[1], preferred_element_type=jnp.float32)
    q2 = jnp.dot(e, conv_w_ref[2], preferred_element_type=jnp.float32)
    q0 = q0.reshape(TOK, LW, NF)
    q1 = q1.reshape(TOK, LW, NF)
    q2 = q2.reshape(TOK, LW, NF)
    y = q0[:, 0:LW - 2, :] + q1[:, 1:LW - 1, :] + q2[:, 2:LW, :]
    y = jnp.maximum(y + conv_b_ref[:, :], 0.0)
    c = jnp.max(y, axis=1)

    bf = jnp.bfloat16
    x = x_ref[:, :].astype(bf)
    wp = wp_ref[:, :].astype(bf)
    h = (jnp.dot(x[:, 0:256], wp[0:256], preferred_element_type=jnp.float32)
         + jnp.dot(x[:, 256:512], wp[WD:WD + 256], preferred_element_type=jnp.float32)
         + jnp.dot(x[:, 512:512 + (WD - 256)], wp[256:WD], preferred_element_type=jnp.float32)
         + jnp.dot(x[:, 556:556 + (WD - 256)], wp[WD + 256:2 * WD], preferred_element_type=jnp.float32)
         + jnp.dot(c.astype(bf), wp[2 * WD:2 * WD + NF], preferred_element_type=jnp.float32)
         + bp_ref[:, :])
    h = jnp.maximum(h, 0.0)

    m = mask_ref[0]
    hm = (h * m).reshape(BB, S, 2 * DE)
    hx = jnp.where(m > 0.0, h, -1e9).reshape(BB, S, 2 * DE)
    mean = jnp.sum(hm, axis=1) / cnt_ref[0]
    mx = jnp.max(hx, axis=1)
    u_ref[0] = jnp.concatenate([mean, mx], axis=-1)


def _tc_encode(x_all, chars_all, mask_all, cnt_all,
               char_w, conv_w, conv_b, Wp, bp):
    grid = (3 * NBB,)
    return pl.pallas_call(
        _enc_body,
        grid=grid,
        in_specs=[
            pl.BlockSpec((TOK, XW), lambda i: (i, 0)),
            pl.BlockSpec((1, 1, TOK * LW), lambda i: (i, 0, 0)),
            pl.BlockSpec((1, TOK, 1), lambda i: (i, 0, 0)),
            pl.BlockSpec((1, BB, 1), lambda i: (i, 0, 0)),
            pl.BlockSpec((CV, CD), lambda i: (0, 0)),
            pl.BlockSpec((3, CD, NF), lambda i: (0, 0, 0)),
            pl.BlockSpec((1, NF), lambda i: (0, 0)),
            pl.BlockSpec((2 * WD + NF, 2 * DE), lambda i: (0, 0)),
            pl.BlockSpec((1, 2 * DE), lambda i: (0, 0)),
        ],
        out_specs=pl.BlockSpec((1, BB, 4 * DE), lambda i: (i, 0, 0)),
        out_shape=jax.ShapeDtypeStruct((3 * NBB, BB, 4 * DE), jnp.float32),
    )(x_all, chars_all, mask_all, cnt_all,
      char_w, conv_w, conv_b.reshape(1, NF), Wp,
      bp.reshape(1, 2 * DE))


def _head_body(u_ref, wihf_ref, whhf_ref, bf_ref, wihb_ref, whhb_ref, bb_ref,
               w1_ref, b1_ref, w2_ref, b2_ref, wo_ref, bo_ref, out_ref):
    u1 = u_ref[0]
    u2 = u_ref[1]
    u3 = u_ref[2]

    def lstm(xs, wih_ref, whh_ref, b_ref):
        h = jnp.zeros((B, LH), jnp.float32)
        c = jnp.zeros((B, LH), jnp.float32)
        for x in xs:
            z = (jnp.dot(x, wih_ref[:, :], preferred_element_type=jnp.float32)
                 + jnp.dot(h, whh_ref[:, :], preferred_element_type=jnp.float32)
                 + b_ref[:, :])
            i = jax.nn.sigmoid(z[:, 0 * LH:1 * LH])
            f = jax.nn.sigmoid(z[:, 1 * LH:2 * LH])
            g = jnp.tanh(z[:, 2 * LH:3 * LH])
            o = jax.nn.sigmoid(z[:, 3 * LH:4 * LH])
            c = f * c + i * g
            h = o * jnp.tanh(c)
        return h

    hf = lstm([u1, u2, u3], wihf_ref, whhf_ref, bf_ref)
    hb = lstm([u3, u2, u1], wihb_ref, whhb_ref, bb_ref)

    u = jnp.concatenate([u1, u2, u3, u1 - u2 + u3, hf, hb], axis=-1)
    o1 = jnp.maximum(jnp.dot(u, w1_ref[:, :], preferred_element_type=jnp.float32)
                     + b1_ref[:, :], 0.0)
    o2 = (jnp.dot(u, w2_ref[0:16 * DE + 2 * LH, :], preferred_element_type=jnp.float32)
          + jnp.dot(o1, w2_ref[16 * DE + 2 * LH:, :], preferred_element_type=jnp.float32)
          + b2_ref[:, :])
    o2 = jnp.maximum(o2, 0.0)
    out_ref[:, :] = (jnp.dot(o2, wo_ref[:, :], preferred_element_type=jnp.float32)
                     + bo_ref[:, :])


def _tc_head(u_stack, Wih_f, Whh_f, b_f, Wih_b, Whh_b, b_b,
             W1, b1, W2, b2, Wo, bo):
    return pl.pallas_call(
        _head_body,
        out_shape=jax.ShapeDtypeStruct((B, NC), jnp.float32),
    )(u_stack, Wih_f, Whh_f, b_f.reshape(1, -1), Wih_b, Whh_b,
      b_b.reshape(1, -1), W1, b1.reshape(1, -1), W2, b2.reshape(1, -1),
      Wo, bo.reshape(1, -1))


def kernel(seq_turn1, seq_turn2, seq_turn3, lens_turn1, lens_turn2, lens_turn3,
           char_turn1, char_turn2, char_turn3,
           glove_w, w2v_w, char_w, conv_w, conv_b, Wp, bp,
           Wih_f, Whh_f, b_f, Wih_b, Whh_b, b_b,
           W1, b1, W2, b2, Wo, bo):
    idx = jnp.concatenate([seq_turn1.reshape(-1), seq_turn2.reshape(-1),
                           seq_turn3.reshape(-1)]).astype(jnp.int32)

    tail_cat = _tail_pack(glove_w, w2v_w)

    x_all = _sc_gather(glove_w, w2v_w, tail_cat, idx)

    chars_all = jnp.stack([char_turn1, char_turn2, char_turn3]) \
        .astype(jnp.int32).reshape(3 * NBB, 1, TOK * LW)

    lens = jnp.stack([lens_turn1, lens_turn2, lens_turn3])
    pos = lax.broadcasted_iota(jnp.int32, (1, B, S), 2)
    mask = (pos < lens[:, :, None]).astype(jnp.float32)
    mask_all = mask.reshape(3 * NBB, TOK, 1)
    cnt_all = jnp.maximum(jnp.sum(mask, axis=2), 1.0) \
        .reshape(3 * NBB, BB, 1)

    u_blocks = _tc_encode(x_all, chars_all, mask_all, cnt_all,
                          char_w, conv_w, conv_b, Wp, bp)
    u_stack = u_blocks.reshape(3, B, 4 * DE)

    return _tc_head(u_stack, Wih_f, Whh_f, b_f, Wih_b, Whh_b, b_b,
                    W1, b1, W2, b2, Wo, bo)

# --- scband reference (transcript-rebuilt; emitter-appended) ---
"""Pipeline reference for scband-nn4-emo-semi-hierarchical-61014305407247 (READ-ONLY COPY).

The authoritative reference and input builder live on the scoring server;
editing this copy changes nothing except your own understanding.
"""

import jax, jax.numpy as jnp
import numpy as np

B = 128
S = 64
V = 50000
WD = 300
CV = 100
CD = 15
LW = 16
NF = 100
DE = 300
LH = 300
NC = 4
FC_DIM = 4 * (4 * DE) + 2 * LH


def setup_inputs(seed: int = 0):
    key = jax.random.key(seed)
    ks = jax.random.split(key, 40)

    def p(i, shape):
        return jax.random.normal(ks[i], shape, dtype=jnp.float32) * 0.02

    inp = {}
    inp['seq_turn1'] = jax.random.randint(ks[0], (B, S), 0, V)
    inp['seq_turn2'] = jax.random.randint(ks[1], (B, S), 0, V)
    inp['seq_turn3'] = jax.random.randint(ks[2], (B, S), 0, V)
    inp['lens_turn1'] = jax.random.randint(ks[3], (B,), 1, S + 1)
    inp['lens_turn2'] = jax.random.randint(ks[4], (B,), 1, S + 1)
    inp['lens_turn3'] = jax.random.randint(ks[5], (B,), 1, S + 1)
    inp['char_turn1'] = jax.random.randint(ks[6], (B, S, LW), 0, CV)
    inp['char_turn2'] = jax.random.randint(ks[7], (B, S, LW), 0, CV)
    inp['char_turn3'] = jax.random.randint(ks[8], (B, S, LW), 0, CV)
    inp['glove_w'] = p(9, (V, WD))
    inp['w2v_w'] = p(10, (V, WD))
    inp['char_w'] = p(11, (CV, CD))
    inp['conv_w'] = p(12, (3, CD, NF))
    inp['conv_b'] = p(13, (NF,))
    inp['Wp'] = p(14, (2 * WD + NF, 2 * DE))
    inp['bp'] = p(15, (2 * DE,))
    inp['Wih_f'] = p(16, (4 * DE, 4 * LH))
    inp['Whh_f'] = p(17, (LH, 4 * LH))
    inp['b_f'] = p(18, (4 * LH,))
    inp['Wih_b'] = p(19, (4 * DE, 4 * LH))
    inp['Whh_b'] = p(20, (LH, 4 * LH))
    inp['b_b'] = p(21, (4 * LH,))
    inp['W1'] = p(22, (FC_DIM, DE))
    inp['b1'] = p(23, (DE,))
    inp['W2'] = p(24, (FC_DIM + DE, DE))
    inp['b2'] = p(25, (DE,))
    inp['Wo'] = p(26, (DE, NC))
    inp['bo'] = p(27, (NC,))
    return inp


def _char_cnn(chars, char_w, conv_w, conv_b):
    b, s, lw = chars.shape
    e = char_w[chars.reshape(b * s, lw)]
    y = jax.lax.conv_general_dilated(e, conv_w, (1,), 'VALID', dimension_numbers=('NWC', 'WIO', 'NWC'))
    y = jnp.max(jnp.maximum(y + conv_b, 0.0), axis=1)
    return y.reshape(b, s, -1)


def _encode(seq, lens, chars, glove_w, w2v_w, char_w, conv_w, conv_b, Wp, bp):
    x = jnp.concatenate([glove_w[seq], w2v_w[seq], _char_cnn(chars, char_w, conv_w, conv_b)], axis=-1)
    mask = (jnp.arange(seq.shape[1])[None, :] < lens[:, None]).astype(jnp.float32)[:, :, None]
    h = jnp.maximum(jnp.einsum('bsd,de->bse', x, Wp) + bp, 0.0) * mask
    mean = jnp.sum(h, axis=1) / jnp.maximum(jnp.sum(mask, axis=1), 1.0)
    mx = jnp.max(jnp.where(mask > 0, h, -1e9), axis=1)
    return jnp.concatenate([mean, mx], axis=-1)


def _lstm(xs_t, Wih, Whh, b):
    def step(carry, x):
        h, c = carry
        z = x @ Wih + h @ Whh + b
        i, f, g, o = jnp.split(z, 4, axis=-1)
        c = jax.nn.sigmoid(f) * c + jax.nn.sigmoid(i) * jnp.tanh(g)
        h = jax.nn.sigmoid(o) * jnp.tanh(c)
        return (h, c), None
    init = (jnp.zeros((xs_t.shape[1], Whh.shape[0])), jnp.zeros((xs_t.shape[1], Whh.shape[0])))
    (h, _), _ = jax.lax.scan(step, init, xs_t)
    return h


def _forward(seq_turn1, seq_turn2, seq_turn3, lens_turn1, lens_turn2, lens_turn3,
             char_turn1, char_turn2, char_turn3,
             glove_w, w2v_w, char_w, conv_w, conv_b, Wp, bp,
             Wih_f, Whh_f, b_f, Wih_b, Whh_b, b_b,
             W1, b1, W2, b2, Wo, bo):
    u1 = _encode(seq_turn1, lens_turn1, char_turn1, glove_w, w2v_w, char_w, conv_w, conv_b, Wp, bp)
    u2 = _encode(seq_turn2, lens_turn2, char_turn2, glove_w, w2v_w, char_w, conv_w, conv_b, Wp, bp)
    u3 = _encode(seq_turn3, lens_turn3, char_turn3, glove_w, w2v_w, char_w, conv_w, conv_b, Wp, bp)
    hin = jnp.stack([u1, u2, u3], axis=1)
    xs_t = jnp.swapaxes(hin, 0, 1)
    hf = _lstm(xs_t, Wih_f, Whh_f, b_f)
    hb = _lstm(xs_t[::-1], Wih_b, Whh_b, b_b)
    lstm_out = jnp.concatenate([hf, hb], axis=-1)
    u = jnp.concatenate([u1, u2, u3, u1 - u2 + u3, lstm_out], axis=-1)
    o1 = jnp.maximum(u @ W1 + b1, 0.0)
    o2 = jnp.maximum(jnp.concatenate([u, o1], axis=-1) @ W2 + b2, 0.0)
    return o2 @ Wo + bo


def reference(seq_turn1, seq_turn2, seq_turn3, lens_turn1, lens_turn2, lens_turn3,
              char_turn1, char_turn2, char_turn3,
              glove_w, w2v_w, char_w, conv_w, conv_b, Wp, bp,
              Wih_f, Whh_f, b_f, Wih_b, Whh_b, b_b,
              W1, b1, W2, b2, Wo, bo):
    return _forward(seq_turn1, seq_turn2, seq_turn3, lens_turn1, lens_turn2, lens_turn3,
                    char_turn1, char_turn2, char_turn3,
                    glove_w, w2v_w, char_w, conv_w, conv_b, Wp, bp,
                    Wih_f, Whh_f, b_f, Wih_b, Whh_b, b_b,
                    W1, b1, W2, b2, Wo, bo)

if __name__ == "__main__":
    import jax
    _d = setup_inputs()
    print(jax.jit(kernel)(*tuple(_d.values())))

</pallas_src>

<mosaic_0001>
#map = affine_map<(d0, d1) -> (0, 0)>
#map1 = affine_map<(d0, d1) -> (0)>
module attributes {stable_mosaic.version = 14 : i64} {
  func.func @_sc_gather_body(%arg0: i32, %arg1: i32, %arg2: memref<50000x300xf32, #tpu.memory_space<hbm>>, %arg3: memref<50000x300xf32, #tpu.memory_space<hbm>>, %arg4: memref<50000x128xf32, #tpu.memory_space<hbm>>, %arg5: memref<24576xi32, #tpu.memory_space<hbm>>, %arg6: memref<24576x640xf32, #tpu.memory_space<hbm>>, %arg7: memref<768xi32, #tpu.memory_space<vmem>>, %arg8: memref<128x640xf32, #tpu.memory_space<vmem>>, %arg9: memref<!tpu.dma_semaphore, #tpu.memory_space<semaphore_mem>>) attributes {dimension_semantics = [#tpu.dimension_semantics<core_parallel>, #tpu.dimension_semantics<subcore_parallel>], iteration_bounds = array<i64: 2, 16>, scalar_prefetch = 0 : i64, scratch_operands = 3 : i64, tpu.core_type = #tpu.core_type<sc_vector_subcore>, window_params = [{transform_indices = #map}, {transform_indices = #map}, {transform_indices = #map}, {transform_indices = #map1}, {transform_indices = #map}]} {
    %mul3A = arith.constant 2 : i32
    %mul3A_0 = arith.muli %arg1, %mul3A : i32
    %add3A = arith.addi %mul3A_0, %arg0 : i32
    %mul3A_1 = arith.constant 768 : i32
    %mul3A_2 = arith.muli %add3A, %mul3A_1 : i32
    "tpu.region"() ({
      %run_scoped3A = tpu.sem_alloc : memref<!tpu.dma_semaphore, #tpu.memory_space<semaphore_mem>>
      %dma_start3A = tpu.memref_slice %arg5[%mul3A_2] : memref<24576xi32, #tpu.memory_space<hbm>> -> memref<768xi32, #tpu.memory_space<hbm>>
      %dma_start3A_7 = tpu.memref_slice %arg5[%mul3A_2] : memref<24576xi32, #tpu.memory_space<hbm>> -> memref<768xi32, #tpu.memory_space<hbm>>
      tpu.enqueue_dma source(%dma_start3A_7 : memref<768xi32, #tpu.memory_space<hbm>>) target(%arg7 : memref<768xi32, #tpu.memory_space<vmem>>) target_semaphore(%run_scoped3A : memref<!tpu.dma_semaphore, #tpu.memory_space<semaphore_mem>>)
      %dma_wait3A = tpu.memref_slice %arg5[%mul3A_2] : memref<24576xi32, #tpu.memory_space<hbm>> -> memref<768xi32, #tpu.memory_space<hbm>>
      %dma_wait3A_8 = tpu.memref_slice %arg5[%mul3A_2] : memref<24576xi32, #tpu.memory_space<hbm>> -> memref<768xi32, #tpu.memory_space<hbm>>
      tpu.wait_dma2 semaphore(%run_scoped3A : memref<!tpu.dma_semaphore, #tpu.memory_space<semaphore_mem>>) src(%dma_wait3A_8 : memref<768xi32, #tpu.memory_space<hbm>>) dst(%arg7 : memref<768xi32, #tpu.memory_space<vmem>>)
      tpu.yield
    }) : () -> ()
    %scan3A = arith.constant 0 : i32
    %scan3A_3 = arith.constant 6 : i32
    %scan3A_4 = arith.addi %scan3A, %scan3A_3 : i32
    %scan3A_5 = arith.constant 1 : i32
    scf.for %scan3A_7 = %scan3A to %scan3A_4 step %scan3A_5  : i32 {
      %mul3A_8 = arith.constant 128 : i32
      %mul3A_9 = arith.muli %scan3A_7, %mul3A_8 : i32
      %dma_start3A = arith.constant 0 : i32
      %dma_start3A_10 = arith.constant 0 : i32
      %dma_start3A_11 = tpu.memref_slice %arg8[%dma_start3A, %dma_start3A_10] : memref<128x640xf32, #tpu.memory_space<vmem>> -> memref<128x128xf32, #tpu.memory_space<vmem>>
      %dma_start3A_12 = tpu.memref_slice %arg7[%mul3A_9] : memref<768xi32, #tpu.memory_space<vmem>> -> memref<128xi32, #tpu.memory_space<vmem>>
      %dma_start3A_13 = arith.constant 0 : i32
      %dma_start3A_14 = arith.constant 0 : i32
      %dma_start3A_15 = tpu.memref_slice %arg2[%dma_start3A_13, %dma_start3A_14] : memref<50000x300xf32, #tpu.memory_space<hbm>> -> memref<50000x128xf32, #tpu.memory_space<hbm>>
      tpu.enqueue_indirect_dma source(%dma_start3A_15 : memref<50000x128xf32, #tpu.memory_space<hbm>>) target(%dma_start3A_11 : memref<128x128xf32, #tpu.memory_space<vmem>>) offsets(%dma_start3A_12 : memref<128xi32, #tpu.memory_space<vmem>>) semaphore(%arg9 : memref<!tpu.dma_semaphore, #tpu.memory_space<semaphore_mem>>)
      %dma_start3A_16 = arith.constant 0 : i32
      %dma_start3A_17 = arith.constant 128 : i32
      %dma_start3A_18 = tpu.memref_slice %arg8[%dma_start3A_16, %dma_start3A_17] : memref<128x640xf32, #tpu.memory_space<vmem>> -> memref<128x128xf32, #tpu.memory_space<vmem>>
      %dma_start3A_19 = tpu.memref_slice %arg7[%mul3A_9] : memref<768xi32, #tpu.memory_space<vmem>> -> memref<128xi32, #tpu.memory_space<vmem>>
      %dma_start3A_20 = arith.constant 0 : i32
      %dma_start3A_21 = arith.constant 128 : i32
      %dma_start3A_22 = tpu.memref_slice %arg2[%dma_start3A_20, %dma_start3A_21] : memref<50000x300xf32, #tpu.memory_space<hbm>> -> memref<50000x128xf32, #tpu.memory_space<hbm>>
      tpu.enqueue_indirect_dma source(%dma_start3A_22 : memref<50000x128xf32, #tpu.memory_space<hbm>>) target(%dma_start3A_18 : memref<128x128xf32, #tpu.memory_space<vmem>>) offsets(%dma_start3A_19 : memref<128xi32, #tpu.memory_space<vmem>>) semaphore(%arg9 : memref<!tpu.dma_semaphore, #tpu.memory_space<semaphore_mem>>)
      %dma_start3A_23 = arith.constant 0 : i32
      %dma_start3A_24 = arith.constant 256 : i32
      %dma_start3A_25 = tpu.memref_slice %arg8[%dma_start3A_23, %dma_start3A_24] : memref<128x640xf32, #tpu.memory_space<vmem>> -> memref<128x128xf32, #tpu.memory_space<vmem>>
      %dma_start3A_26 = tpu.memref_slice %arg7[%mul3A_9] : memref<768xi32, #tpu.memory_space<vmem>> -> memref<128xi32, #tpu.memory_space<vmem>>
      %dma_start3A_27 = arith.constant 0 : i32
      %dma_start3A_28 = arith.constant 0 : i32
      %dma_start3A_29 = tpu.memref_slice %arg3[%dma_start3A_27, %dma_start3A_28] : memref<50000x300xf32, #tpu.memory_space<hbm>> -> memref<50000x128xf32, #tpu.memory_space<hbm>>
      tpu.enqueue_indirect_dma source(%dma_start3A_29 : memref<50000x128xf32, #tpu.memory_space<hbm>>) target(%dma_start3A_25 : memref<128x128xf32, #tpu.memory_space<vmem>>) offsets(%dma_start3A_26 : memref<128xi32, #tpu.memory_space<vmem>>) semaphore(%arg9 : memref<!tpu.dma_semaphore, #tpu.memory_space<semaphore_mem>>)
      %dma_start3A_30 = arith.constant 0 : i32
      %dma_start3A_31 = arith.constant 384 : i32
      %dma_start3A_32 = tpu.memref_slice %arg8[%dma_start3A_30, %dma_start3A_31] : memref<128x640xf32, #tpu.memory_space<vmem>> -> memref<128x128xf32, #tpu.memory_space<vmem>>
      %dma_start3A_33 = tpu.memref_slice %arg7[%mul3A_9] : memref<768xi32, #tpu.memory_space<vmem>> -> memref<128xi32, #tpu.memory_space<vmem>>
      %dma_start3A_34 = arith.constant 0 : i32
      %dma_start3A_35 = arith.constant 128 : i32
      %dma_start3A_36 = tpu.memref_slice %arg3[%dma_start3A_34, %dma_start3A_35] : memref<50000x300xf32, #tpu.memory_space<hbm>> -> memref<50000x128xf32, #tpu.memory_space<hbm>>
      tpu.enqueue_indirect_dma source(%dma_start3A_36 : memref<50000x128xf32, #tpu.memory_space<hbm>>) target(%dma_start3A_32 : memref<128x128xf32, #tpu.memory_space<vmem>>) offsets(%dma_start3A_33 : memref<128xi32, #tpu.memory_space<vmem>>) semaphore(%arg9 : memref<!tpu.dma_semaphore, #tpu.memory_space<semaphore_mem>>)
      %dma_start3A_37 = arith.constant 0 : i32
      %dma_start3A_38 = arith.constant 512 : i32
      %dma_start3A_39 = tpu.memref_slice %arg8[%dma_start3A_37, %dma_start3A_38] : memref<128x640xf32, #tpu.memory_space<vmem>> -> memref<128x128xf32, #tpu.memory_space<vmem>>
      %dma_start3A_40 = tpu.memref_slice %arg7[%mul3A_9] : memref<768xi32, #tpu.memory_space<vmem>> -> memref<128xi32, #tpu.memory_space<vmem>>
      %dma_start3A_41 = arith.constant 0 : i32
      %dma_start3A_42 = arith.constant 0 : i32
      %dma_start3A_43 = tpu.memref_slice %arg4[%dma_start3A_41, %dma_start3A_42] : memref<50000x128xf32, #tpu.memory_space<hbm>> -> memref<50000x128xf32, #tpu.memory_space<hbm>>
      tpu.enqueue_indirect_dma source(%dma_start3A_43 : memref<50000x128xf32, #tpu.memory_space<hbm>>) target(%dma_start3A_39 : memref<128x128xf32, #tpu.memory_space<vmem>>) offsets(%dma_start3A_40 : memref<128xi32, #tpu.memory_space<vmem>>) semaphore(%arg9 : memref<!tpu.dma_semaphore, #tpu.memory_space<semaphore_mem>>)
      %dma_wait3A = arith.constant 0 : i32
      %dma_wait3A_44 = arith.constant 0 : i32
      %dma_wait3A_45 = tpu.memref_slice %arg8[%dma_wait3A, %dma_wait3A_44] : memref<128x640xf32, #tpu.memory_space<vmem>> -> memref<128x128xf32, #tpu.memory_space<vmem>>
      %dma_wait3A_46 = tpu.memref_slice %arg7[%mul3A_9] : memref<768xi32, #tpu.memory_space<vmem>> -> memref<128xi32, #tpu.memory_space<vmem>>
      %dma_wait3A_47 = arith.constant 0 : i32
      %dma_wait3A_48 = arith.constant 0 : i32
      %dma_wait3A_49 = tpu.memref_slice %arg2[%dma_wait3A_47, %dma_wait3A_48] : memref<50000x300xf32, #tpu.memory_space<hbm>> -> memref<50000x128xf32, #tpu.memory_space<hbm>>
      tpu.wait_indirect_dma semaphore(%arg9 : memref<!tpu.dma_semaphore, #tpu.memory_space<semaphore_mem>>) src(%dma_wait3A_49 : memref<50000x128xf32, #tpu.memory_space<hbm>>) dst(%dma_wait3A_45 : memref<128x128xf32, #tpu.memory_space<vmem>>)
      %dma_wait3A_50 = arith.constant 0 : i32
      %dma_wait3A_51 = arith.constant 128 : i32
      %dma_wait3A_52 = tpu.memref_slice %arg8[%dma_wait3A_50, %dma_wait3A_51] : memref<128x640xf32, #tpu.memory_space<vmem>> -> memref<128x128xf32, #tpu.memory_space<vmem>>
      %dma_wait3A_53 = tpu.memref_slice %arg7[%mul3A_9] : memref<768xi32, #tpu.memory_space<vmem>> -> memref<128xi32, #tpu.memory_space<vmem>>
      %dma_wait3A_54 = arith.constant 0 : i32
      %dma_wait3A_55 = arith.constant 128 : i32
      %dma_wait3A_56 = tpu.memref_slice %arg2[%dma_wait3A_54, %dma_wait3A_55] : memref<50000x300xf32, #tpu.memory_space<hbm>> -> memref<50000x128xf32, #tpu.memory_space<hbm>>
      tpu.wait_indirect_dma semaphore(%arg9 : memref<!tpu.dma_semaphore, #tpu.memory_space<semaphore_mem>>) src(%dma_wait3A_56 : memref<50000x128xf32, #tpu.memory_space<hbm>>) dst(%dma_wait3A_52 : memref<128x128xf32, #tpu.memory_space<vmem>>)
      %dma_wait3A_57 = arith.constant 0 : i32
      %dma_wait3A_58 = arith.constant 256 : i32
      %dma_wait3A_59 = tpu.memref_slice %arg8[%dma_wait3A_57, %dma_wait3A_58] : memref<128x640xf32, #tpu.memory_space<vmem>> -> memref<128x128xf32, #tpu.memory_space<vmem>>
      %dma_wait3A_60 = tpu.memref_slice %arg7[%mul3A_9] : memref<768xi32, #tpu.memory_space<vmem>> -> memref<128xi32, #tpu.memory_space<vmem>>
      %dma_wait3A_61 = arith.constant 0 : i32
      %dma_wait3A_62 = arith.constant 0 : i32
      %dma_wait3A_63 = tpu.memref_slice %arg3[%dma_wait3A_61, %dma_wait3A_62] : memref<50000x300xf32, #tpu.memory_space<hbm>> -> memref<50000x128xf32, #tpu.memory_space<hbm>>
      tpu.wait_indirect_dma semaphore(%arg9 : memref<!tpu.dma_semaphore, #tpu.memory_space<semaphore_mem>>) src(%dma_wait3A_63 : memref<50000x128xf32, #tpu.memory_space<hbm>>) dst(%dma_wait3A_59 : memref<128x128xf32, #tpu.memory_space<vmem>>)
      %dma_wait3A_64 = arith.constant 0 : i32
      %dma_wait3A_65 = arith.constant 384 : i32
      %dma_wait3A_66 = tpu.memref_slice %arg8[%dma_wait3A_64, %dma_wait3A_65] : memref<128x640xf32, #tpu.memory_space<vmem>> -> memref<128x128xf32, #tpu.memory_space<vmem>>
      %dma_wait3A_67 = tpu.memref_slice %arg7[%mul3A_9] : memref<768xi32, #tpu.memory_space<vmem>> -> memref<128xi32, #tpu.memory_space<vmem>>
      %dma_wait3A_68 = arith.constant 0 : i32
      %dma_wait3A_69 = arith.constant 128 : i32
      %dma_wait3A_70 = tpu.memref_slice %arg3[%dma_wait3A_68, %dma_wait3A_69] : memref<50000x300xf32, #tpu.memory_space<hbm>> -> memref<50000x128xf32, #tpu.memory_space<hbm>>
      tpu.wait_indirect_dma semaphore(%arg9 : memref<!tpu.dma_semaphore, #tpu.memory_space<semaphore_mem>>) src(%dma_wait3A_70 : memref<50000x128xf32, #tpu.memory_space<hbm>>) dst(%dma_wait3A_66 : memref<128x128xf32, #tpu.memory_space<vmem>>)
      %dma_wait3A_71 = arith.constant 0 : i32
      %dma_wait3A_72 = arith.constant 512 : i32
      %dma_wait3A_73 = tpu.memref_slice %arg8[%dma_wait3A_71, %dma_wait3A_72] : memref<128x640xf32, #tpu.memory_space<vmem>> -> memref<128x128xf32, #tpu.memory_space<vmem>>
      %dma_wait3A_74 = tpu.memref_slice %arg7[%mul3A_9] : memref<768xi32, #tpu.memory_space<vmem>> -> memref<128xi32, #tpu.memory_space<vmem>>
      %dma_wait3A_75 = arith.constant 0 : i32
      %dma_wait3A_76 = arith.constant 0 : i32
      %dma_wait3A_77 = tpu.memref_slice %arg4[%dma_wait3A_75, %dma_wait3A_76] : memref<50000x128xf32, #tpu.memory_space<hbm>> -> memref<50000x128xf32, #tpu.memory_space<hbm>>
      tpu.wait_indirect_dma semaphore(%arg9 : memref<!tpu.dma_semaphore, #tpu.memory_space<semaphore_mem>>) src(%dma_wait3A_77 : memref<50000x128xf32, #tpu.memory_space<hbm>>) dst(%dma_wait3A_73 : memref<128x128xf32, #tpu.memory_space<vmem>>)
      %add3A_78 = arith.addi %mul3A_2, %mul3A_9 : i32
      "tpu.region"() ({
        %run_scoped3A = tpu.sem_alloc : memref<!tpu.dma_semaphore, #tpu.memory_space<semaphore_mem>>
        %dma_start3A_79 = arith.constant 0 : i32
        %dma_start3A_80 = tpu.memref_slice %arg6[%add3A_78, %dma_start3A_79] : memref<24576x640xf32, #tpu.memory_space<hbm>> -> memref<128x640xf32, #tpu.memory_space<hbm>>
        %dma_start3A_81 = arith.constant 0 : i32
        %dma_start3A_82 = tpu.memref_slice %arg6[%add3A_78, %dma_start3A_81] : memref<24576x640xf32, #tpu.memory_space<hbm>> -> memref<128x640xf32, #tpu.memory_space<hbm>>
        tpu.enqueue_dma source(%arg8 : memref<128x640xf32, #tpu.memory_space<vmem>>) target(%dma_start3A_82 : memref<128x640xf32, #tpu.memory_space<hbm>>) target_semaphore(%run_scoped3A : memref<!tpu.dma_semaphore, #tpu.memory_space<semaphore_mem>>)
        %dma_wait3A_83 = arith.constant 0 : i32
        %dma_wait3A_84 = tpu.memref_slice %arg6[%add3A_78, %dma_wait3A_83] : memref<24576x640xf32, #tpu.memory_space<hbm>> -> memref<128x640xf32, #tpu.memory_space<hbm>>
        %dma_wait3A_85 = arith.constant 0 : i32
        %dma_wait3A_86 = tpu.memref_slice %arg6[%add3A_78, %dma_wait3A_85] : memref<24576x640xf32, #tpu.memory_space<hbm>> -> memref<128x640xf32, #tpu.memory_space<hbm>>
        tpu.wait_dma2 semaphore(%run_scoped3A : memref<!tpu.dma_semaphore, #tpu.memory_space<semaphore_mem>>) src(%arg8 : memref<128x640xf32, #tpu.memory_space<vmem>>) dst(%dma_wait3A_86 : memref<128x640xf32, #tpu.memory_space<hbm>>)
        tpu.yield
      }) : () -> ()
    }
    %scan3A_6 = arith.constant 6 : i32
    return
  }
}

module attributes {stable_mosaic.version = 14 : i64} {
  func.func @_tail_body(%arg0: i32, %arg1: memref<2000x128xf32, #tpu.memory_space<vmem>>, %arg2: memref<2000x128xf32, #tpu.memory_space<vmem>>, %arg3: memref<2000x128xf32, #tpu.memory_space<vmem>>) attributes {dimension_semantics = [#tpu.dimension_semantics<arbitrary>], iteration_bounds = array<i64: 25>, scalar_prefetch = 0 : i64, scratch_operands = 0 : i64, tpu.core_type = #tpu.core_type<tc>, window_params = [{transform_indices = @transform_0, window_bounds = array<i64: 2000, 128>}, {transform_indices = @transform_1, window_bounds = array<i64: 2000, 128>}, {transform_indices = @transform_2, window_bounds = array<i64: 2000, 128>}]} {
    %broadcast_in_dim3A = arith.constant 0.000000e+00 : f32
    %broadcast_in_dim3A_0 = vector.broadcast %broadcast_in_dim3A : f32 to vector<2000x40xf32>
    %get3A = arith.constant 0 : index
    %get3A_1 = arith.constant 0 : index
    %get3A_2 = vector.load %arg1[%get3A, %get3A_1] : memref<2000x128xf32, #tpu.memory_space<vmem>>, vector<2000x44xf32>
    %get3A_3 = arith.constant 0 : index
    %get3A_4 = arith.constant 0 : index
    %get3A_5 = vector.load %arg2[%get3A_3, %get3A_4] : memref<2000x128xf32, #tpu.memory_space<vmem>>, vector<2000x44xf32>
    %concatenate3A = tpu.concatenate %get3A_2, %get3A_5, %broadcast_in_dim3A_0 in 1 : vector<2000x44xf32>, vector<2000x44xf32>, vector<2000x40xf32> -> vector<2000x128xf32>
    %swap3A = arith.constant 0 : index
    %swap3A_6 = arith.constant 0 : index
    %swap3A_7 = vector.load %arg3[%swap3A, %swap3A_6] : memref<2000x128xf32, #tpu.memory_space<vmem>>, vector<2000x128xf32>
    tpu.vector_store %arg3[%swap3A, %swap3A_6], %concatenate3A {strides = array<i32>} : memref<2000x128xf32, #tpu.memory_space<vmem>>, vector<2000x128xf32>,
    return
  }
  func.func @transform_0(%arg0: i32) -> (i32, i32) {
    %c2_i32 = arith.constant 2 : i32
    %c0_i32 = arith.constant 0 : i32
    return %arg0, %c2_i32 : i32, i32
  }
  func.func @transform_1(%arg0: i32) -> (i32, i32) {
    %c2_i32 = arith.constant 2 : i32
    %c0_i32 = arith.constant 0 : i32
    return %arg0, %c2_i32 : i32, i32
  }
  func.func @transform_2(%arg0: i32) -> (i32, i32) {
    %c0_i32 = arith.constant 0 : i32
    %c0_i32_0 = arith.constant 0 : i32
    return %arg0, %c0_i32 : i32, i32
  }
}

module attributes {stable_mosaic.version = 14 : i64} {
  func.func @_enc_body(%arg0: i32, %arg1: memref<1024x640xf32, #tpu.memory_space<vmem>>, %arg2: memref<1x1x16384xi32, #tpu.memory_space<vmem>>, %arg3: memref<1x1024x1xf32, #tpu.memory_space<vmem>>, %arg4: memref<1x16x1xf32, #tpu.memory_space<vmem>>, %arg5: memref<100x15xf32, #tpu.memory_space<vmem>>, %arg6: memref<3x15x100xf32, #tpu.memory_space<vmem>>, %arg7: memref<1x100xf32, #tpu.memory_space<vmem>>, %arg8: memref<700x600xf32, #tpu.memory_space<vmem>>, %arg9: memref<1x600xf32, #tpu.memory_space<vmem>>, %arg10: memref<1x16x1200xf32, #tpu.memory_space<vmem>>) attributes {dimension_semantics = [#tpu.dimension_semantics<arbitrary>], iteration_bounds = array<i64: 24>, scalar_prefetch = 0 : i64, scratch_operands = 0 : i64, tpu.core_type = #tpu.core_type<tc>, window_params = [{transform_indices = @transform_0, window_bounds = array<i64: 1024, 640>}, {transform_indices = @transform_1, window_bounds = array<i64: 1, 1, 16384>}, {transform_indices = @transform_2, window_bounds = array<i64: 1, 1024, 1>}, {transform_indices = @transform_3, window_bounds = array<i64: 1, 16, 1>}, {pipeline_mode = #tpu.pipeline_mode<synchronous>, transform_indices = @transform_4, window_bounds = array<i64: 100, 15>}, {pipeline_mode = #tpu.pipeline_mode<synchronous>, transform_indices = @transform_5, window_bounds = array<i64: 3, 15, 100>}, {pipeline_mode = #tpu.pipeline_mode<synchronous>, transform_indices = @transform_6, window_bounds = array<i64: 1, 100>}, {pipeline_mode = #tpu.pipeline_mode<synchronous>, transform_indices = @transform_7, window_bounds = array<i64: 700, 600>}, {pipeline_mode = #tpu.pipeline_mode<synchronous>, transform_indices = @transform_8, window_bounds = array<i64: 1, 600>}, {transform_indices = @transform_9, window_bounds = array<i64: 1, 16, 1200>}]} {
    %get3A = arith.constant 0 : index
    %get3A_0 = arith.constant 0 : index
    %get3A_1 = arith.constant 0 : index
    %get3A_2 = vector.load %arg2[%get3A, %get3A_0, %get3A_1] : memref<1x1x16384xi32, #tpu.memory_space<vmem>>, vector<1x1x16384xi32>
    %get3A_3 = vector.shape_cast %get3A_2 : vector<1x1x16384xi32> to vector<1x16384xi32>
    %reshape3A = vector.shape_cast %get3A_3 : vector<1x16384xi32> to vector<16384x1xi32>
    %iota3A = tpu.iota {dimensions = array<i32: 1>} : vector<1x100xi32>
    %eq3A = vector.broadcast %reshape3A : vector<16384x1xi32> to vector<16384x100xi32>
    %eq3A_4 = vector.broadcast %iota3A : vector<1x100xi32> to vector<16384x100xi32>
    %eq3A_5 = arith.cmpi eq, %eq3A, %eq3A_4 : vector<16384x100xi32>
    %convert_element_type3A = arith.extui %eq3A_5 : vector<16384x100xi1> to vector<16384x100xi32>
    %convert_element_type3A_6 = arith.sitofp %convert_element_type3A : vector<16384x100xi32> to vector<16384x100xf32>
    %get3A_7 = arith.constant 0 : index
    %get3A_8 = arith.constant 0 : index
    %get3A_9 = vector.load %arg5[%get3A_7, %get3A_8] : memref<100x15xf32, #tpu.memory_space<vmem>>, vector<100x15xf32>
    %dot_general3A = arith.constant dense<0.000000e+00> : vector<16384x15xf32>
    %dot_general3A_10 = tpu.matmul %convert_element_type3A_6, %get3A_9, %dot_general3A {dimension_numbers = #tpu.dot_dimension_numbers<[1], [0], [0], [1], [0, 0, 1, 1], [], []>, transpose_lhs_hint = false} : vector<16384x100xf32>, vector<100x15xf32>, vector<16384x15xf32> -> vector<16384x15xf32>
    %get3A_11 = arith.constant 0 : index
    %get3A_12 = arith.constant 0 : index
    %get3A_13 = arith.constant 0 : index
    %get3A_14 = vector.load %arg6[%get3A_11, %get3A_12, %get3A_13] : memref<3x15x100xf32, #tpu.memory_space<vmem>>, vector<1x15x100xf32>
    %get3A_15 = vector.shape_cast %get3A_14 : vector<1x15x100xf32> to vector<15x100xf32>
    %dot_general3A_16 = arith.constant dense<0.000000e+00> : vector<16384x100xf32>
    %dot_general3A_17 = tpu.matmul %dot_general3A_10, %get3A_15, %dot_general3A_16 {dimension_numbers = #tpu.dot_dimension_numbers<[1], [0], [0], [1], [0, 0, 1, 1], [], []>, transpose_lhs_hint = false} : vector<16384x15xf32>, vector<15x100xf32>, vector<16384x100xf32> -> vector<16384x100xf32>
    %get3A_18 = arith.constant 1 : index
    %get3A_19 = arith.constant 0 : index
    %get3A_20 = arith.constant 0 : index
    %get3A_21 = vector.load %arg6[%get3A_18, %get3A_19, %get3A_20] : memref<3x15x100xf32, #tpu.memory_space<vmem>>, vector<1x15x100xf32>
    %get3A_22 = vector.shape_cast %get3A_21 : vector<1x15x100xf32> to vector<15x100xf32>
    %dot_general3A_23 = arith.constant dense<0.000000e+00> : vector<16384x100xf32>
    %dot_general3A_24 = tpu.matmul %dot_general3A_10, %get3A_22, %dot_general3A_23 {dimension_numbers = #tpu.dot_dimension_numbers<[1], [0], [0], [1], [0, 0, 1, 1], [], []>, transpose_lhs_hint = false} : vector<16384x15xf32>, vector<15x100xf32>, vector<16384x100xf32> -> vector<16384x100xf32>
    %get3A_25 = arith.constant 2 : index
    %get3A_26 = arith.constant 0 : index
    %get3A_27 = arith.constant 0 : index
    %get3A_28 = vector.load %arg6[%get3A_25, %get3A_26, %get3A_27] : memref<3x15x100xf32, #tpu.memory_space<vmem>>, vector<1x15x100xf32>
    %get3A_29 = vector.shape_cast %get3A_28 : vector<1x15x100xf32> to vector<15x100xf32>
    %dot_general3A_30 = arith.constant dense<0.000000e+00> : vector<16384x100xf32>
    %dot_general3A_31 = tpu.matmul %dot_general3A_10, %get3A_29, %dot_general3A_30 {dimension_numbers = #tpu.dot_dimension_numbers<[1], [0], [0], [1], [0, 0, 1, 1], [], []>, transpose_lhs_hint = false} : vector<16384x15xf32>, vector<15x100xf32>, vector<16384x100xf32> -> vector<16384x100xf32>
    %reshape3A_32 = vector.shape_cast %dot_general3A_17 : vector<16384x100xf32> to vector<1024x16x100xf32>
    %reshape3A_33 = vector.shape_cast %dot_general3A_24 : vector<16384x100xf32> to vector<1024x16x100xf32>
    %reshape3A_34 = vector.shape_cast %dot_general3A_31 : vector<16384x100xf32> to vector<1024x16x100xf32>
    %slice3A = vector.extract_strided_slice %reshape3A_32 {offsets = [0, 0, 0], sizes = [1024, 14, 100], strides = [1, 1, 1]} : vector<1024x16x100xf32> to vector<1024x14x100xf32>
    %slice3A_35 = vector.extract_strided_slice %reshape3A_33 {offsets = [0, 1, 0], sizes = [1024, 14, 100], strides = [1, 1, 1]} : vector<1024x16x100xf32> to vector<1024x14x100xf32>
    %add3A = arith.addf %slice3A, %slice3A_35 : vector<1024x14x100xf32>
    %slice3A_36 = vector.extract_strided_slice %reshape3A_34 {offsets = [0, 2, 0], sizes = [1024, 14, 100], strides = [1, 1, 1]} : vector<1024x16x100xf32> to vector<1024x14x100xf32>
    %add3A_37 = arith.addf %add3A, %slice3A_36 : vector<1024x14x100xf32>
    %get3A_38 = arith.constant 0 : index
    %get3A_39 = arith.constant 0 : index
    %get3A_40 = vector.load %arg7[%get3A_38, %get3A_39] : memref<1x100xf32, #tpu.memory_space<vmem>>, vector<1x100xf32>
    %broadcast_in_dim3A = vector.shape_cast %get3A_40 : vector<1x100xf32> to vector<1x1x100xf32>
    %add3A_41 = vector.broadcast %broadcast_in_dim3A : vector<1x1x100xf32> to vector<1024x14x100xf32>
    %add3A_42 = arith.addf %add3A_37, %add3A_41 : vector<1024x14x100xf32>
    %max3A = arith.constant 0.000000e+00 : f32
    %max3A_43 = vector.broadcast %max3A : f32 to vector<1024x14x100xf32>
    %max3A_44 = arith.maximumf %add3A_42, %max3A_43 : vector<1024x14x100xf32>
    %reduce_max3A = arith.constant dense<0xFF800000> : vector<1024x100xf32>
    %reduce_max3A_45 = vector.multi_reduction <maximumf>, %max3A_44, %reduce_max3A [1] : vector<1024x14x100xf32> to vector<1024x100xf32>
    %get3A_46 = arith.constant 0 : index
    %get3A_47 = arith.constant 0 : index
    %get3A_48 = vector.load %arg1[%get3A_46, %get3A_47] : memref<1024x640xf32, #tpu.memory_space<vmem>>, vector<1024x640xf32>
    %convert_element_type3A_49 = arith.truncf %get3A_48 : vector<1024x640xf32> to vector<1024x640xbf16>
    %get3A_50 = arith.constant 0 : index
    %get3A_51 = arith.constant 0 : index
    %get3A_52 = vector.load %arg8[%get3A_50, %get3A_51] : memref<700x600xf32, #tpu.memory_space<vmem>>, vector<700x600xf32>
    %convert_element_type3A_53 = arith.truncf %get3A_52 : vector<700x600xf32> to vector<700x600xbf16>
    %slice3A_54 = vector.extract_strided_slice %convert_element_type3A_49 {offsets = [0, 0], sizes = [1024, 256], strides = [1, 1]} : vector<1024x640xbf16> to vector<1024x256xbf16>
    %slice3A_55 = vector.extract_strided_slice %convert_element_type3A_53 {offsets = [0, 0], sizes = [256, 600], strides = [1, 1]} : vector<700x600xbf16> to vector<256x600xbf16>
    %dot_general3A_56 = arith.constant dense<0.000000e+00> : vector<1024x600xf32>
    %dot_general3A_57 = tpu.matmul %slice3A_54, %slice3A_55, %dot_general3A_56 {dimension_numbers = #tpu.dot_dimension_numbers<[1], [0], [0], [1], [0, 0, 1, 1], [], []>, transpose_lhs_hint = false} : vector<1024x256xbf16>, vector<256x600xbf16>, vector<1024x600xf32> -> vector<1024x600xf32>
    %slice3A_58 = vector.extract_strided_slice %convert_element_type3A_49 {offsets = [0, 256], sizes = [1024, 256], strides = [1, 1]} : vector<1024x640xbf16> to vector<1024x256xbf16>
    %slice3A_59 = vector.extract_strided_slice %convert_element_type3A_53 {offsets = [300, 0], sizes = [256, 600], strides = [1, 1]} : vector<700x600xbf16> to vector<256x600xbf16>
    %dot_general3A_60 = arith.constant dense<0.000000e+00> : vector<1024x600xf32>
    %dot_general3A_61 = tpu.matmul %slice3A_58, %slice3A_59, %dot_general3A_60 {dimension_numbers = #tpu.dot_dimension_numbers<[1], [0], [0], [1], [0, 0, 1, 1], [], []>, transpose_lhs_hint = false} : vector<1024x256xbf16>, vector<256x600xbf16>, vector<1024x600xf32> -> vector<1024x600xf32>
    %add3A_62 = arith.addf %dot_general3A_57, %dot_general3A_61 : vector<1024x600xf32>
    %slice3A_63 = vector.extract_strided_slice %convert_element_type3A_49 {offsets = [0, 512], sizes = [1024, 44], strides = [1, 1]} : vector<1024x640xbf16> to vector<1024x44xbf16>
    %slice3A_64 = vector.extract_strided_slice %convert_element_type3A_53 {offsets = [256, 0], sizes = [44, 600], strides = [1, 1]} : vector<700x600xbf16> to vector<44x600xbf16>
    %dot_general3A_65 = arith.constant dense<0.000000e+00> : vector<1024x600xf32>
    %dot_general3A_66 = tpu.matmul %slice3A_63, %slice3A_64, %dot_general3A_65 {dimension_numbers = #tpu.dot_dimension_numbers<[1], [0], [0], [1], [0, 0, 1, 1], [], []>, transpose_lhs_hint = false} : vector<1024x44xbf16>, vector<44x600xbf16>, vector<1024x600xf32> -> vector<1024x600xf32>
    %add3A_67 = arith.addf %add3A_62, %dot_general3A_66 : vector<1024x600xf32>
    %slice3A_68 = vector.extract_strided_slice %convert_element_type3A_49 {offsets = [0, 556], sizes = [1024, 44], strides = [1, 1]} : vector<1024x640xbf16> to vector<1024x44xbf16>
    %slice3A_69 = vector.extract_strided_slice %convert_element_type3A_53 {offsets = [556, 0], sizes = [44, 600], strides = [1, 1]} : vector<700x600xbf16> to vector<44x600xbf16>
    %dot_general3A_70 = arith.constant dense<0.000000e+00> : vector<1024x600xf32>
    %dot_general3A_71 = tpu.matmul %slice3A_68, %slice3A_69, %dot_general3A_70 {dimension_numbers = #tpu.dot_dimension_numbers<[1], [0], [0], [1], [0, 0, 1, 1], [], []>, transpose_lhs_hint = false} : vector<1024x44xbf16>, vector<44x600xbf16>, vector<1024x600xf32> -> vector<1024x600xf32>
    %add3A_72 = arith.addf %add3A_67, %dot_general3A_71 : vector<1024x600xf32>
    %convert_element_type3A_73 = arith.truncf %reduce_max3A_45 : vector<1024x100xf32> to vector<1024x100xbf16>
    %slice3A_74 = vector.extract_strided_slice %convert_element_type3A_53 {offsets = [600, 0], sizes = [100, 600], strides = [1, 1]} : vector<700x600xbf16> to vector<100x600xbf16>
    %dot_general3A_75 = arith.constant dense<0.000000e+00> : vector<1024x600xf32>
    %dot_general3A_76 = tpu.matmul %convert_element_type3A_73, %slice3A_74, %dot_general3A_75 {dimension_numbers = #tpu.dot_dimension_numbers<[1], [0], [0], [1], [0, 0, 1, 1], [], []>, transpose_lhs_hint = false} : vector<1024x100xbf16>, vector<100x600xbf16>, vector<1024x600xf32> -> vector<1024x600xf32>
    %add3A_77 = arith.addf %add3A_72, %dot_general3A_76 : vector<1024x600xf32>
    %get3A_78 = arith.constant 0 : index
    %get3A_79 = arith.constant 0 : index
    %get3A_80 = vector.load %arg9[%get3A_78, %get3A_79] : memref<1x600xf32, #tpu.memory_space<vmem>>, vector<1x600xf32>
    %add3A_81 = vector.broadcast %get3A_80 : vector<1x600xf32> to vector<1024x600xf32>
    %add3A_82 = arith.addf %add3A_77, %add3A_81 : vector<1024x600xf32>
    %max3A_83 = arith.constant 0.000000e+00 : f32
    %max3A_84 = vector.broadcast %max3A_83 : f32 to vector<1024x600xf32>
    %max3A_85 = arith.maximumf %add3A_82, %max3A_84 : vector<1024x600xf32>
    %get3A_86 = arith.constant 0 : index
    %get3A_87 = arith.constant 0 : index
    %get3A_88 = arith.constant 0 : index
    %get3A_89 = vector.load %arg3[%get3A_86, %get3A_87, %get3A_88] : memref<1x1024x1xf32, #tpu.memory_space<vmem>>, vector<1x1024x1xf32>
    %get3A_90 = vector.shape_cast %get3A_89 : vector<1x1024x1xf32> to vector<1024x1xf32>
    %mul3A = vector.broadcast %get3A_90 : vector<1024x1xf32> to vector<1024x600xf32>
    %mul3A_91 = arith.mulf %max3A_85, %mul3A : vector<1024x600xf32>
    %reshape3A_92 = vector.shape_cast %mul3A_91 : vector<1024x600xf32> to vector<16x64x600xf32>
    %gt3A = arith.constant 0.000000e+00 : f32
    %gt3A_93 = vector.broadcast %gt3A : f32 to vector<1024x1xf32>
    %gt3A_94 = arith.cmpf ogt, %get3A_90, %gt3A_93 : vector<1024x1xf32>
    %jit3A = arith.constant -1.000000e+09 : f32
    %broadcast_in_dim3A_95 = vector.shape_cast %gt3A_94 : vector<1024x1xi1> to vector<1024x1xi1>
    %broadcast_in_dim3A_96 = vector.broadcast %broadcast_in_dim3A_95 : vector<1024x1xi1> to vector<1024x600xi1>
    %broadcast_in_dim3A_97 = vector.broadcast %jit3A : f32 to vector<1024x600xf32>
    %select_n3A = arith.select %broadcast_in_dim3A_96, %max3A_85, %broadcast_in_dim3A_97 : vector<1024x600xi1>, vector<1024x600xf32>
    %reshape3A_98 = vector.shape_cast %select_n3A : vector<1024x600xf32> to vector<16x64x600xf32>
    %reduce_sum3A = arith.constant dense<0.000000e+00> : vector<16x600xf32>
    %reduce_sum3A_99 = vector.multi_reduction <add>, %reshape3A_92, %reduce_sum3A [1] : vector<16x64x600xf32> to vector<16x600xf32>
    %get3A_100 = arith.constant 0 : index
    %get3A_101 = arith.constant 0 : index
    %get3A_102 = arith.constant 0 : index
    %get3A_103 = vector.load %arg4[%get3A_100, %get3A_101, %get3A_102] : memref<1x16x1xf32, #tpu.memory_space<vmem>>, vector<1x16x1xf32>
    %get3A_104 = vector.shape_cast %get3A_103 : vector<1x16x1xf32> to vector<16x1xf32>
    %div3A = vector.broadcast %get3A_104 : vector<16x1xf32> to vector<16x600xf32>
    %div3A_105 = arith.divf %reduce_sum3A_99, %div3A : vector<16x600xf32>
    %reduce_max3A_106 = arith.constant dense<0xFF800000> : vector<16x600xf32>
    %reduce_max3A_107 = vector.multi_reduction <maximumf>, %reshape3A_98, %reduce_max3A_106 [1] : vector<16x64x600xf32> to vector<16x600xf32>
    %concatenate3A = tpu.concatenate %div3A_105, %reduce_max3A_107 in 1 : vector<16x600xf32>, vector<16x600xf32> -> vector<16x1200xf32>
    %swap3A = arith.constant 0 : index
    %swap3A_108 = arith.constant 0 : index
    %swap3A_109 = arith.constant 0 : index
    %swap3A_110 = vector.load %arg10[%swap3A, %swap3A_108, %swap3A_109] : memref<1x16x1200xf32, #tpu.memory_space<vmem>>, vector<1x16x1200xf32>
    %swap3A_111 = vector.shape_cast %swap3A_110 : vector<1x16x1200xf32> to vector<16x1200xf32>
    %swap3A_112 = vector.shape_cast %concatenate3A : vector<16x1200xf32> to vector<1x16x1200xf32>
    tpu.vector_store %arg10[%swap3A, %swap3A_108, %swap3A_109], %swap3A_112 {strides = array<i32>} : memref<1x16x1200xf32, #tpu.memory_space<vmem>>, vector<1x16x1200xf32>,
    return
  }
  func.func @transform_0(%arg0: i32) -> (i32, i32) {
    %c0_i32 = arith.constant 0 : i32
    %c0_i32_0 = arith.constant 0 : i32
    return %arg0, %c0_i32 : i32, i32
  }
  func.func @transform_1(%arg0: i32) -> (i32, i32, i32) {
    %c0_i32 = arith.constant 0 : i32
    %c0_i32_0 = arith.constant 0 : i32
    %c0_i32_1 = arith.constant 0 : i32
    return %arg0, %c0_i32, %c0_i32_0 : i32, i32, i32
  }
  func.func @transform_2(%arg0: i32) -> (i32, i32, i32) {
    %c0_i32 = arith.constant 0 : i32
    %c0_i32_0 = arith.constant 0 : i32
    %c0_i32_1 = arith.constant 0 : i32
    return %arg0, %c0_i32, %c0_i32_0 : i32, i32, i32
  }
  func.func @transform_3(%arg0: i32) -> (i32, i32, i32) {
    %c0_i32 = arith.constant 0 : i32
    %c0_i32_0 = arith.constant 0 : i32
    %c0_i32_1 = arith.constant 0 : i32
    return %arg0, %c0_i32, %c0_i32_0 : i32, i32, i32
  }
  func.func @transform_4(%arg0: i32) -> (i32, i32) {
    %c0_i32 = arith.constant 0 : i32
    %c0_i32_0 = arith.constant 0 : i32
    %c0_i32_1 = arith.constant 0 : i32
    return %c0_i32, %c0_i32_0 : i32, i32
  }
  func.func @transform_5(%arg0: i32) -> (i32, i32, i32) {
    %c0_i32 = arith.constant 0 : i32
    %c0_i32_0 = arith.constant 0 : i32
    %c0_i32_1 = arith.constant 0 : i32
    %c0_i32_2 = arith.constant 0 : i32
    return %c0_i32, %c0_i32_0, %c0_i32_1 : i32, i32, i32
  }
  func.func @transform_6(%arg0: i32) -> (i32, i32) {
    %c0_i32 = arith.constant 0 : i32
    %c0_i32_0 = arith.constant 0 : i32
    %c0_i32_1 = arith.constant 0 : i32
    return %c0_i32, %c0_i32_0 : i32, i32
  }
  func.func @transform_7(%arg0: i32) -> (i32, i32) {
    %c0_i32 = arith.constant 0 : i32
    %c0_i32_0 = arith.constant 0 : i32
    %c0_i32_1 = arith.constant 0 : i32
    return %c0_i32, %c0_i32_0 : i32, i32
  }
  func.func @transform_8(%arg0: i32) -> (i32, i32) {
    %c0_i32 = arith.constant 0 : i32
    %c0_i32_0 = arith.constant 0 : i32
    %c0_i32_1 = arith.constant 0 : i32
    return %c0_i32, %c0_i32_0 : i32, i32
  }
  func.func @transform_9(%arg0: i32) -> (i32, i32, i32) {
    %c0_i32 = arith.constant 0 : i32
    %c0_i32_0 = arith.constant 0 : i32
    %c0_i32_1 = arith.constant 0 : i32
    return %arg0, %c0_i32, %c0_i32_0 : i32, i32, i32
  }
}

module attributes {stable_mosaic.version = 14 : i64} {
  func.func @_head_body(%arg0: memref<3x128x1200xf32, #tpu.memory_space<vmem>>, %arg1: memref<1200x1200xf32, #tpu.memory_space<vmem>>, %arg2: memref<300x1200xf32, #tpu.memory_space<vmem>>, %arg3: memref<1x1200xf32, #tpu.memory_space<vmem>>, %arg4: memref<1200x1200xf32, #tpu.memory_space<vmem>>, %arg5: memref<300x1200xf32, #tpu.memory_space<vmem>>, %arg6: memref<1x1200xf32, #tpu.memory_space<vmem>>, %arg7: memref<5400x300xf32, #tpu.memory_space<vmem>>, %arg8: memref<1x300xf32, #tpu.memory_space<vmem>>, %arg9: memref<5700x300xf32, #tpu.memory_space<vmem>>, %arg10: memref<1x300xf32, #tpu.memory_space<vmem>>, %arg11: memref<300x4xf32, #tpu.memory_space<vmem>>, %arg12: memref<1x4xf32, #tpu.memory_space<vmem>>, %arg13: memref<128x4xf32, #tpu.memory_space<vmem>>) attributes {dimension_semantics = [], scalar_prefetch = 0 : i64, scratch_operands = 0 : i64, tpu.core_type = #tpu.core_type<tc>} {
    %get3A = arith.constant 0 : index
    %get3A_0 = arith.constant 0 : index
    %get3A_1 = arith.constant 0 : index
    %get3A_2 = vector.load %arg0[%get3A, %get3A_0, %get3A_1] : memref<3x128x1200xf32, #tpu.memory_space<vmem>>, vector<1x128x1200xf32>
    %get3A_3 = vector.shape_cast %get3A_2 : vector<1x128x1200xf32> to vector<128x1200xf32>
    %get3A_4 = arith.constant 1 : index
    %get3A_5 = arith.constant 0 : index
    %get3A_6 = arith.constant 0 : index
    %get3A_7 = vector.load %arg0[%get3A_4, %get3A_5, %get3A_6] : memref<3x128x1200xf32, #tpu.memory_space<vmem>>, vector<1x128x1200xf32>
    %get3A_8 = vector.shape_cast %get3A_7 : vector<1x128x1200xf32> to vector<128x1200xf32>
    %get3A_9 = arith.constant 2 : index
    %get3A_10 = arith.constant 0 : index
    %get3A_11 = arith.constant 0 : index
    %get3A_12 = vector.load %arg0[%get3A_9, %get3A_10, %get3A_11] : memref<3x128x1200xf32, #tpu.memory_space<vmem>>, vector<1x128x1200xf32>
    %get3A_13 = vector.shape_cast %get3A_12 : vector<1x128x1200xf32> to vector<128x1200xf32>
    %broadcast_in_dim3A = arith.constant 0.000000e+00 : f32
    %broadcast_in_dim3A_14 = vector.broadcast %broadcast_in_dim3A : f32 to vector<128x300xf32>
    %broadcast_in_dim3A_15 = arith.constant 0.000000e+00 : f32
    %broadcast_in_dim3A_16 = vector.broadcast %broadcast_in_dim3A_15 : f32 to vector<128x300xf32>
    %get3A_17 = arith.constant 0 : index
    %get3A_18 = arith.constant 0 : index
    %get3A_19 = vector.load %arg1[%get3A_17, %get3A_18] : memref<1200x1200xf32, #tpu.memory_space<vmem>>, vector<1200x1200xf32>
    %dot_general3A = arith.constant dense<0.000000e+00> : vector<128x1200xf32>
    %dot_general3A_20 = tpu.matmul %get3A_3, %get3A_19, %dot_general3A {dimension_numbers = #tpu.dot_dimension_numbers<[1], [0], [0], [1], [0, 0, 1, 1], [], []>, transpose_lhs_hint = false} : vector<128x1200xf32>, vector<1200x1200xf32>, vector<128x1200xf32> -> vector<128x1200xf32>
    %get3A_21 = arith.constant 0 : index
    %get3A_22 = arith.constant 0 : index
    %get3A_23 = vector.load %arg2[%get3A_21, %get3A_22] : memref<300x1200xf32, #tpu.memory_space<vmem>>, vector<300x1200xf32>
    %dot_general3A_24 = arith.constant dense<0.000000e+00> : vector<128x1200xf32>
    %dot_general3A_25 = tpu.matmul %broadcast_in_dim3A_14, %get3A_23, %dot_general3A_24 {dimension_numbers = #tpu.dot_dimension_numbers<[1], [0], [0], [1], [0, 0, 1, 1], [], []>, transpose_lhs_hint = false} : vector<128x300xf32>, vector<300x1200xf32>, vector<128x1200xf32> -> vector<128x1200xf32>
    %add3A = arith.addf %dot_general3A_20, %dot_general3A_25 : vector<128x1200xf32>
    %get3A_26 = arith.constant 0 : index
    %get3A_27 = arith.constant 0 : index
    %get3A_28 = vector.load %arg3[%get3A_26, %get3A_27] : memref<1x1200xf32, #tpu.memory_space<vmem>>, vector<1x1200xf32>
    %add3A_29 = vector.broadcast %get3A_28 : vector<1x1200xf32> to vector<128x1200xf32>
    %add3A_30 = arith.addf %add3A, %add3A_29 : vector<128x1200xf32>
    %slice3A = vector.extract_strided_slice %add3A_30 {offsets = [0, 0], sizes = [128, 300], strides = [1, 1]} : vector<128x1200xf32> to vector<128x300xf32>
    %logistic3A = arith.negf %slice3A : vector<128x300xf32>
    %logistic3A_31 = math.exp %logistic3A : vector<128x300xf32>
    %logistic3A_32 = arith.constant 1.000000e+00 : f32
    %logistic3A_33 = vector.broadcast %logistic3A_32 : f32 to vector<128x300xf32>
    %logistic3A_34 = arith.addf %logistic3A_33, %logistic3A_31 : vector<128x300xf32>
    %logistic3A_35 = arith.divf %logistic3A_33, %logistic3A_34 : vector<128x300xf32>
    %slice3A_36 = vector.extract_strided_slice %add3A_30 {offsets = [0, 300], sizes = [128, 300], strides = [1, 1]} : vector<128x1200xf32> to vector<128x300xf32>
    %logistic3A_37 = arith.negf %slice3A_36 : vector<128x300xf32>
    %logistic3A_38 = math.exp %logistic3A_37 : vector<128x300xf32>
    %logistic3A_39 = arith.constant 1.000000e+00 : f32
    %logistic3A_40 = vector.broadcast %logistic3A_39 : f32 to vector<128x300xf32>
    %logistic3A_41 = arith.addf %logistic3A_40, %logistic3A_38 : vector<128x300xf32>
    %logistic3A_42 = arith.divf %logistic3A_40, %logistic3A_41 : vector<128x300xf32>
    %slice3A_43 = vector.extract_strided_slice %add3A_30 {offsets = [0, 600], sizes = [128, 300], strides = [1, 1]} : vector<128x1200xf32> to vector<128x300xf32>
    %tanh3A = math.tanh %slice3A_43 : vector<128x300xf32>
    %slice3A_44 = vector.extract_strided_slice %add3A_30 {offsets = [0, 900], sizes = [128, 300], strides = [1, 1]} : vector<128x1200xf32> to vector<128x300xf32>
    %logistic3A_45 = arith.negf %slice3A_44 : vector<128x300xf32>
    %logistic3A_46 = math.exp %logistic3A_45 : vector<128x300xf32>
    %logistic3A_47 = arith.constant 1.000000e+00 : f32
    %logistic3A_48 = vector.broadcast %logistic3A_47 : f32 to vector<128x300xf32>
    %logistic3A_49 = arith.addf %logistic3A_48, %logistic3A_46 : vector<128x300xf32>
    %logistic3A_50 = arith.divf %logistic3A_48, %logistic3A_49 : vector<128x300xf32>
    %mul3A = arith.mulf %logistic3A_42, %broadcast_in_dim3A_16 : vector<128x300xf32>
    %mul3A_51 = arith.mulf %logistic3A_35, %tanh3A : vector<128x300xf32>
    %add3A_52 = arith.addf %mul3A, %mul3A_51 : vector<128x300xf32>
    %tanh3A_53 = math.tanh %add3A_52 : vector<128x300xf32>
    %mul3A_54 = arith.mulf %logistic3A_50, %tanh3A_53 : vector<128x300xf32>
    %get3A_55 = arith.constant 0 : index
    %get3A_56 = arith.constant 0 : index
    %get3A_57 = vector.load %arg1[%get3A_55, %get3A_56] : memref<1200x1200xf32, #tpu.memory_space<vmem>>, vector<1200x1200xf32>
    %dot_general3A_58 = arith.constant dense<0.000000e+00> : vector<128x1200xf32>
    %dot_general3A_59 = tpu.matmul %get3A_8, %get3A_57, %dot_general3A_58 {dimension_numbers = #tpu.dot_dimension_numbers<[1], [0], [0], [1], [0, 0, 1, 1], [], []>, transpose_lhs_hint = false} : vector<128x1200xf32>, vector<1200x1200xf32>, vector<128x1200xf32> -> vector<128x1200xf32>
    %get3A_60 = arith.constant 0 : index
    %get3A_61 = arith.constant 0 : index
    %get3A_62 = vector.load %arg2[%get3A_60, %get3A_61] : memref<300x1200xf32, #tpu.memory_space<vmem>>, vector<300x1200xf32>
    %dot_general3A_63 = arith.constant dense<0.000000e+00> : vector<128x1200xf32>
    %dot_general3A_64 = tpu.matmul %mul3A_54, %get3A_62, %dot_general3A_63 {dimension_numbers = #tpu.dot_dimension_numbers<[1], [0], [0], [1], [0, 0, 1, 1], [], []>, transpose_lhs_hint = false} : vector<128x300xf32>, vector<300x1200xf32>, vector<128x1200xf32> -> vector<128x1200xf32>
    %add3A_65 = arith.addf %dot_general3A_59, %dot_general3A_64 : vector<128x1200xf32>
    %get3A_66 = arith.constant 0 : index
    %get3A_67 = arith.constant 0 : index
    %get3A_68 = vector.load %arg3[%get3A_66, %get3A_67] : memref<1x1200xf32, #tpu.memory_space<vmem>>, vector<1x1200xf32>
    %add3A_69 = vector.broadcast %get3A_68 : vector<1x1200xf32> to vector<128x1200xf32>
    %add3A_70 = arith.addf %add3A_65, %add3A_69 : vector<128x1200xf32>
    %slice3A_71 = vector.extract_strided_slice %add3A_70 {offsets = [0, 0], sizes = [128, 300], strides = [1, 1]} : vector<128x1200xf32> to vector<128x300xf32>
    %logistic3A_72 = arith.negf %slice3A_71 : vector<128x300xf32>
    %logistic3A_73 = math.exp %logistic3A_72 : vector<128x300xf32>
    %logistic3A_74 = arith.constant 1.000000e+00 : f32
    %logistic3A_75 = vector.broadcast %logistic3A_74 : f32 to vector<128x300xf32>
    %logistic3A_76 = arith.addf %logistic3A_75, %logistic3A_73 : vector<128x300xf32>
    %logistic3A_77 = arith.divf %logistic3A_75, %logistic3A_76 : vector<128x300xf32>
    %slice3A_78 = vector.extract_strided_slice %add3A_70 {offsets = [0, 300], sizes = [128, 300], strides = [1, 1]} : vector<128x1200xf32> to vector<128x300xf32>
    %logistic3A_79 = arith.negf %slice3A_78 : vector<128x300xf32>
    %logistic3A_80 = math.exp %logistic3A_79 : vector<128x300xf32>
    %logistic3A_81 = arith.constant 1.000000e+00 : f32
    %logistic3A_82 = vector.broadcast %logistic3A_81 : f32 to vector<128x300xf32>
    %logistic3A_83 = arith.addf %logistic3A_82, %logistic3A_80 : vector<128x300xf32>
    %logistic3A_84 = arith.divf %logistic3A_82, %logistic3A_83 : vector<128x300xf32>
    %slice3A_85 = vector.extract_strided_slice %add3A_70 {offsets = [0, 600], sizes = [128, 300], strides = [1, 1]} : vector<128x1200xf32> to vector<128x300xf32>
    %tanh3A_86 = math.tanh %slice3A_85 : vector<128x300xf32>
    %slice3A_87 = vector.extract_strided_slice %add3A_70 {offsets = [0, 900], sizes = [128, 300], strides = [1, 1]} : vector<128x1200xf32> to vector<128x300xf32>
    %logistic3A_88 = arith.negf %slice3A_87 : vector<128x300xf32>
    %logistic3A_89 = math.exp %logistic3A_88 : vector<128x300xf32>
    %logistic3A_90 = arith.constant 1.000000e+00 : f32
    %logistic3A_91 = vector.broadcast %logistic3A_90 : f32 to vector<128x300xf32>
    %logistic3A_92 = arith.addf %logistic3A_91, %logistic3A_89 : vector<128x300xf32>
    %logistic3A_93 = arith.divf %logistic3A_91, %logistic3A_92 : vector<128x300xf32>
    %mul3A_94 = arith.mulf %logistic3A_84, %add3A_52 : vector<128x300xf32>
    %mul3A_95 = arith.mulf %logistic3A_77, %tanh3A_86 : vector<128x300xf32>
    %add3A_96 = arith.addf %mul3A_94, %mul3A_95 : vector<128x300xf32>
    %tanh3A_97 = math.tanh %add3A_96 : vector<128x300xf32>
    %mul3A_98 = arith.mulf %logistic3A_93, %tanh3A_97 : vector<128x300xf32>
    %get3A_99 = arith.constant 0 : index
    %get3A_100 = arith.constant 0 : index
    %get3A_101 = vector.load %arg1[%get3A_99, %get3A_100] : memref<1200x1200xf32, #tpu.memory_space<vmem>>, vector<1200x1200xf32>
    %dot_general3A_102 = arith.constant dense<0.000000e+00> : vector<128x1200xf32>
    %dot_general3A_103 = tpu.matmul %get3A_13, %get3A_101, %dot_general3A_102 {dimension_numbers = #tpu.dot_dimension_numbers<[1], [0], [0], [1], [0, 0, 1, 1], [], []>, transpose_lhs_hint = false} : vector<128x1200xf32>, vector<1200x1200xf32>, vector<128x1200xf32> -> vector<128x1200xf32>
    %get3A_104 = arith.constant 0 : index
    %get3A_105 = arith.constant 0 : index
    %get3A_106 = vector.load %arg2[%get3A_104, %get3A_105] : memref<300x1200xf32, #tpu.memory_space<vmem>>, vector<300x1200xf32>
    %dot_general3A_107 = arith.constant dense<0.000000e+00> : vector<128x1200xf32>
    %dot_general3A_108 = tpu.matmul %mul3A_98, %get3A_106, %dot_general3A_107 {dimension_numbers = #tpu.dot_dimension_numbers<[1], [0], [0], [1], [0, 0, 1, 1], [], []>, transpose_lhs_hint = false} : vector<128x300xf32>, vector<300x1200xf32>, vector<128x1200xf32> -> vector<128x1200xf32>
    %add3A_109 = arith.addf %dot_general3A_103, %dot_general3A_108 : vector<128x1200xf32>
    %get3A_110 = arith.constant 0 : index
    %get3A_111 = arith.constant 0 : index
    %get3A_112 = vector.load %arg3[%get3A_110, %get3A_111] : memref<1x1200xf32, #tpu.memory_space<vmem>>, vector<1x1200xf32>
    %add3A_113 = vector.broadcast %get3A_112 : vector<1x1200xf32> to vector<128x1200xf32>
    %add3A_114 = arith.addf %add3A_109, %add3A_113 : vector<128x1200xf32>
    %slice3A_115 = vector.extract_strided_slice %add3A_114 {offsets = [0, 0], sizes = [128, 300], strides = [1, 1]} : vector<128x1200xf32> to vector<128x300xf32>
    %logistic3A_116 = arith.negf %slice3A_115 : vector<128x300xf32>
    %logistic3A_117 = math.exp %logistic3A_116 : vector<128x300xf32>
    %logistic3A_118 = arith.constant 1.000000e+00 : f32
    %logistic3A_119 = vector.broadcast %logistic3A_118 : f32 to vector<128x300xf32>
    %logistic3A_120 = arith.addf %logistic3A_119, %logistic3A_117 : vector<128x300xf32>
    %logistic3A_121 = arith.divf %logistic3A_119, %logistic3A_120 : vector<128x300xf32>
    %slice3A_122 = vector.extract_strided_slice %add3A_114 {offsets = [0, 300], sizes = [128, 300], strides = [1, 1]} : vector<128x1200xf32> to vector<128x300xf32>
    %logistic3A_123 = arith.negf %slice3A_122 : vector<128x300xf32>
    %logistic3A_124 = math.exp %logistic3A_123 : vector<128x300xf32>
    %logistic3A_125 = arith.constant 1.000000e+00 : f32
    %logistic3A_126 = vector.broadcast %logistic3A_125 : f32 to vector<128x300xf32>
    %logistic3A_127 = arith.addf %logistic3A_126, %logistic3A_124 : vector<128x300xf32>
    %logistic3A_128 = arith.divf %logistic3A_126, %logistic3A_127 : vector<128x300xf32>
    %slice3A_129 = vector.extract_strided_slice %add3A_114 {offsets = [0, 600], sizes = [128, 300], strides = [1, 1]} : vector<128x1200xf32> to vector<128x300xf32>
    %tanh3A_130 = math.tanh %slice3A_129 : vector<128x300xf32>
    %slice3A_131 = vector.extract_strided_slice %add3A_114 {offsets = [0, 900], sizes = [128, 300], strides = [1, 1]} : vector<128x1200xf32> to vector<128x300xf32>
    %logistic3A_132 = arith.negf %slice3A_131 : vector<128x300xf32>
    %logistic3A_133 = math.exp %logistic3A_132 : vector<128x300xf32>
    %logistic3A_134 = arith.constant 1.000000e+00 : f32
    %logistic3A_135 = vector.broadcast %logistic3A_134 : f32 to vector<128x300xf32>
    %logistic3A_136 = arith.addf %logistic3A_135, %logistic3A_133 : vector<128x300xf32>
    %logistic3A_137 = arith.divf %logistic3A_135, %logistic3A_136 : vector<128x300xf32>
    %mul3A_138 = arith.mulf %logistic3A_128, %add3A_96 : vector<128x300xf32>
    %mul3A_139 = arith.mulf %logistic3A_121, %tanh3A_130 : vector<128x300xf32>
    %add3A_140 = arith.addf %mul3A_138, %mul3A_139 : vector<128x300xf32>
    %tanh3A_141 = math.tanh %add3A_140 : vector<128x300xf32>
    %mul3A_142 = arith.mulf %logistic3A_137, %tanh3A_141 : vector<128x300xf32>
    %broadcast_in_dim3A_143 = arith.constant 0.000000e+00 : f32
    %broadcast_in_dim3A_144 = vector.broadcast %broadcast_in_dim3A_143 : f32 to vector<128x300xf32>
    %broadcast_in_dim3A_145 = arith.constant 0.000000e+00 : f32
    %broadcast_in_dim3A_146 = vector.broadcast %broadcast_in_dim3A_145 : f32 to vector<128x300xf32>
    %get3A_147 = arith.constant 0 : index
    %get3A_148 = arith.constant 0 : index
    %get3A_149 = vector.load %arg4[%get3A_147, %get3A_148] : memref<1200x1200xf32, #tpu.memory_space<vmem>>, vector<1200x1200xf32>
    %dot_general3A_150 = arith.constant dense<0.000000e+00> : vector<128x1200xf32>
    %dot_general3A_151 = tpu.matmul %get3A_13, %get3A_149, %dot_general3A_150 {dimension_numbers = #tpu.dot_dimension_numbers<[1], [0], [0], [1], [0, 0, 1, 1], [], []>, transpose_lhs_hint = false} : vector<128x1200xf32>, vector<1200x1200xf32>, vector<128x1200xf32> -> vector<128x1200xf32>
    %get3A_152 = arith.constant 0 : index
    %get3A_153 = arith.constant 0 : index
    %get3A_154 = vector.load %arg5[%get3A_152, %get3A_153] : memref<300x1200xf32, #tpu.memory_space<vmem>>, vector<300x1200xf32>
    %dot_general3A_155 = arith.constant dense<0.000000e+00> : vector<128x1200xf32>
    %dot_general3A_156 = tpu.matmul %broadcast_in_dim3A_144, %get3A_154, %dot_general3A_155 {dimension_numbers = #tpu.dot_dimension_numbers<[1], [0], [0], [1], [0, 0, 1, 1], [], []>, transpose_lhs_hint = false} : vector<128x300xf32>, vector<300x1200xf32>, vector<128x1200xf32> -> vector<128x1200xf32>
    %add3A_157 = arith.addf %dot_general3A_151, %dot_general3A_156 : vector<128x1200xf32>
    %get3A_158 = arith.constant 0 : index
    %get3A_159 = arith.constant 0 : index
    %get3A_160 = vector.load %arg6[%get3A_158, %get3A_159] : memref<1x1200xf32, #tpu.memory_space<vmem>>, vector<1x1200xf32>
    %add3A_161 = vector.broadcast %get3A_160 : vector<1x1200xf32> to vector<128x1200xf32>
    %add3A_162 = arith.addf %add3A_157, %add3A_161 : vector<128x1200xf32>
    %slice3A_163 = vector.extract_strided_slice %add3A_162 {offsets = [0, 0], sizes = [128, 300], strides = [1, 1]} : vector<128x1200xf32> to vector<128x300xf32>
    %logistic3A_164 = arith.negf %slice3A_163 : vector<128x300xf32>
    %logistic3A_165 = math.exp %logistic3A_164 : vector<128x300xf32>
    %logistic3A_166 = arith.constant 1.000000e+00 : f32
    %logistic3A_167 = vector.broadcast %logistic3A_166 : f32 to vector<128x300xf32>
    %logistic3A_168 = arith.addf %logistic3A_167, %logistic3A_165 : vector<128x300xf32>
    %logistic3A_169 = arith.divf %logistic3A_167, %logistic3A_168 : vector<128x300xf32>
    %slice3A_170 = vector.extract_strided_slice %add3A_162 {offsets = [0, 300], sizes = [128, 300], strides = [1, 1]} : vector<128x1200xf32> to vector<128x300xf32>
    %logistic3A_171 = arith.negf %slice3A_170 : vector<128x300xf32>
    %logistic3A_172 = math.exp %logistic3A_171 : vector<128x300xf32>
    %logistic3A_173 = arith.constant 1.000000e+00 : f32
    %logistic3A_174 = vector.broadcast %logistic3A_173 : f32 to vector<128x300xf32>
    %logistic3A_175 = arith.addf %logistic3A_174, %logistic3A_172 : vector<128x300xf32>
    %logistic3A_176 = arith.divf %logistic3A_174, %logistic3A_175 : vector<128x300xf32>
    %slice3A_177 = vector.extract_strided_slice %add3A_162 {offsets = [0, 600], sizes = [128, 300], strides = [1, 1]} : vector<128x1200xf32> to vector<128x300xf32>
    %tanh3A_178 = math.tanh %slice3A_177 : vector<128x300xf32>
    %slice3A_179 = vector.extract_strided_slice %add3A_162 {offsets = [0, 900], sizes = [128, 300], strides = [1, 1]} : vector<128x1200xf32> to vector<128x300xf32>
    %logistic3A_180 = arith.negf %slice3A_179 : vector<128x300xf32>
    %logistic3A_181 = math.exp %logistic3A_180 : vector<128x300xf32>
    %logistic3A_182 = arith.constant 1.000000e+00 : f32
    %logistic3A_183 = vector.broadcast %logistic3A_182 : f32 to vector<128x300xf32>
    %logistic3A_184 = arith.addf %logistic3A_183, %logistic3A_181 : vector<128x300xf32>
    %logistic3A_185 = arith.divf %logistic3A_183, %logistic3A_184 : vector<128x300xf32>
    %mul3A_186 = arith.mulf %logistic3A_176, %broadcast_in_dim3A_146 : vector<128x300xf32>
    %mul3A_187 = arith.mulf %logistic3A_169, %tanh3A_178 : vector<128x300xf32>
    %add3A_188 = arith.addf %mul3A_186, %mul3A_187 : vector<128x300xf32>
    %tanh3A_189 = math.tanh %add3A_188 : vector<128x300xf32>
    %mul3A_190 = arith.mulf %logistic3A_185, %tanh3A_189 : vector<128x300xf32>
    %get3A_191 = arith.constant 0 : index
    %get3A_192 = arith.constant 0 : index
    %get3A_193 = vector.load %arg4[%get3A_191, %get3A_192] : memref<1200x1200xf32, #tpu.memory_space<vmem>>, vector<1200x1200xf32>
    %dot_general3A_194 = arith.constant dense<0.000000e+00> : vector<128x1200xf32>
    %dot_general3A_195 = tpu.matmul %get3A_8, %get3A_193, %dot_general3A_194 {dimension_numbers = #tpu.dot_dimension_numbers<[1], [0], [0], [1], [0, 0, 1, 1], [], []>, transpose_lhs_hint = false} : vector<128x1200xf32>, vector<1200x1200xf32>, vector<128x1200xf32> -> vector<128x1200xf32>
    %get3A_196 = arith.constant 0 : index
    %get3A_197 = arith.constant 0 : index
    %get3A_198 = vector.load %arg5[%get3A_196, %get3A_197] : memref<300x1200xf32, #tpu.memory_space<vmem>>, vector<300x1200xf32>
    %dot_general3A_199 = arith.constant dense<0.000000e+00> : vector<128x1200xf32>
    %dot_general3A_200 = tpu.matmul %mul3A_190, %get3A_198, %dot_general3A_199 {dimension_numbers = #tpu.dot_dimension_numbers<[1], [0], [0], [1], [0, 0, 1, 1], [], []>, transpose_lhs_hint = false} : vector<128x300xf32>, vector<300x1200xf32>, vector<128x1200xf32> -> vector<128x1200xf32>
    %add3A_201 = arith.addf %dot_general3A_195, %dot_general3A_200 : vector<128x1200xf32>
    %get3A_202 = arith.constant 0 : index
    %get3A_203 = arith.constant 0 : index
    %get3A_204 = vector.load %arg6[%get3A_202, %get3A_203] : memref<1x1200xf32, #tpu.memory_space<vmem>>, vector<1x1200xf32>
    %add3A_205 = vector.broadcast %get3A_204 : vector<1x1200xf32> to vector<128x1200xf32>
    %add3A_206 = arith.addf %add3A_201, %add3A_205 : vector<128x1200xf32>
    %slice3A_207 = vector.extract_strided_slice %add3A_206 {offsets = [0, 0], sizes = [128, 300], strides = [1, 1]} : vector<128x1200xf32> to vector<128x300xf32>
    %logistic3A_208 = arith.negf %slice3A_207 : vector<128x300xf32>
    %logistic3A_209 = math.exp %logistic3A_208 : vector<128x300xf32>
    %logistic3A_210 = arith.constant 1.000000e+00 : f32
    %logistic3A_211 = vector.broadcast %logistic3A_210 : f32 to vector<128x300xf32>
    %logistic3A_212 = arith.addf %logistic3A_211, %logistic3A_209 : vector<128x300xf32>
    %logistic3A_213 = arith.divf %logistic3A_211, %logistic3A_212 : vector<128x300xf32>
    %slice3A_214 = vector.extract_strided_slice %add3A_206 {offsets = [0, 300], sizes = [128, 300], strides = [1, 1]} : vector<128x1200xf32> to vector<128x300xf32>
    %logistic3A_215 = arith.negf %slice3A_214 : vector<128x300xf32>
    %logistic3A_216 = math.exp %logistic3A_215 : vector<128x300xf32>
    %logistic3A_217 = arith.constant 1.000000e+00 : f32
    %logistic3A_218 = vector.broadcast %logistic3A_217 : f32 to vector<128x300xf32>
    %logistic3A_219 = arith.addf %logistic3A_218, %logistic3A_216 : vector<128x300xf32>
    %logistic3A_220 = arith.divf %logistic3A_218, %logistic3A_219 : vector<128x300xf32>
    %slice3A_221 = vector.extract_strided_slice %add3A_206 {offsets = [0, 600], sizes = [128, 300], strides = [1, 1]} : vector<128x1200xf32> to vector<128x300xf32>
    %tanh3A_222 = math.tanh %slice3A_221 : vector<128x300xf32>
    %slice3A_223 = vector.extract_strided_slice %add3A_206 {offsets = [0, 900], sizes = [128, 300], strides = [1, 1]} : vector<128x1200xf32> to vector<128x300xf32>
    %logistic3A_224 = arith.negf %slice3A_223 : vector<128x300xf32>
    %logistic3A_225 = math.exp %logistic3A_224 : vector<128x300xf32>
    %logistic3A_226 = arith.constant 1.000000e+00 : f32
    %logistic3A_227 = vector.broadcast %logistic3A_226 : f32 to vector<128x300xf32>
    %logistic3A_228 = arith.addf %logistic3A_227, %logistic3A_225 : vector<128x300xf32>
    %logistic3A_229 = arith.divf %logistic3A_227, %logistic3A_228 : vector<128x300xf32>
    %mul3A_230 = arith.mulf %logistic3A_220, %add3A_188 : vector<128x300xf32>
    %mul3A_231 = arith.mulf %logistic3A_213, %tanh3A_222 : vector<128x300xf32>
    %add3A_232 = arith.addf %mul3A_230, %mul3A_231 : vector<128x300xf32>
    %tanh3A_233 = math.tanh %add3A_232 : vector<128x300xf32>
    %mul3A_234 = arith.mulf %logistic3A_229, %tanh3A_233 : vector<128x300xf32>
    %get3A_235 = arith.constant 0 : index
    %get3A_236 = arith.constant 0 : index
    %get3A_237 = vector.load %arg4[%get3A_235, %get3A_236] : memref<1200x1200xf32, #tpu.memory_space<vmem>>, vector<1200x1200xf32>
    %dot_general3A_238 = arith.constant dense<0.000000e+00> : vector<128x1200xf32>
    %dot_general3A_239 = tpu.matmul %get3A_3, %get3A_237, %dot_general3A_238 {dimension_numbers = #tpu.dot_dimension_numbers<[1], [0], [0], [1], [0, 0, 1, 1], [], []>, transpose_lhs_hint = false} : vector<128x1200xf32>, vector<1200x1200xf32>, vector<128x1200xf32> -> vector<128x1200xf32>
    %get3A_240 = arith.constant 0 : index
    %get3A_241 = arith.constant 0 : index
    %get3A_242 = vector.load %arg5[%get3A_240, %get3A_241] : memref<300x1200xf32, #tpu.memory_space<vmem>>, vector<300x1200xf32>
    %dot_general3A_243 = arith.constant dense<0.000000e+00> : vector<128x1200xf32>
    %dot_general3A_244 = tpu.matmul %mul3A_234, %get3A_242, %dot_general3A_243 {dimension_numbers = #tpu.dot_dimension_numbers<[1], [0], [0], [1], [0, 0, 1, 1], [], []>, transpose_lhs_hint = false} : vector<128x300xf32>, vector<300x1200xf32>, vector<128x1200xf32> -> vector<128x1200xf32>
    %add3A_245 = arith.addf %dot_general3A_239, %dot_general3A_244 : vector<128x1200xf32>
    %get3A_246 = arith.constant 0 : index
    %get3A_247 = arith.constant 0 : index
    %get3A_248 = vector.load %arg6[%get3A_246, %get3A_247] : memref<1x1200xf32, #tpu.memory_space<vmem>>, vector<1x1200xf32>
    %add3A_249 = vector.broadcast %get3A_248 : vector<1x1200xf32> to vector<128x1200xf32>
    %add3A_250 = arith.addf %add3A_245, %add3A_249 : vector<128x1200xf32>
    %slice3A_251 = vector.extract_strided_slice %add3A_250 {offsets = [0, 0], sizes = [128, 300], strides = [1, 1]} : vector<128x1200xf32> to vector<128x300xf32>
    %logistic3A_252 = arith.negf %slice3A_251 : vector<128x300xf32>
    %logistic3A_253 = math.exp %logistic3A_252 : vector<128x300xf32>
    %logistic3A_254 = arith.constant 1.000000e+00 : f32
    %logistic3A_255 = vector.broadcast %logistic3A_254 : f32 to vector<128x300xf32>
    %logistic3A_256 = arith.addf %logistic3A_255, %logistic3A_253 : vector<128x300xf32>
    %logistic3A_257 = arith.divf %logistic3A_255, %logistic3A_256 : vector<128x300xf32>
    %slice3A_258 = vector.extract_strided_slice %add3A_250 {offsets = [0, 300], sizes = [128, 300], strides = [1, 1]} : vector<128x1200xf32> to vector<128x300xf32>
    %logistic3A_259 = arith.negf %slice3A_258 : vector<128x300xf32>
    %logistic3A_260 = math.exp %logistic3A_259 : vector<128x300xf32>
    %logistic3A_261 = arith.constant 1.000000e+00 : f32
    %logistic3A_262 = vector.broadcast %logistic3A_261 : f32 to vector<128x300xf32>
    %logistic3A_263 = arith.addf %logistic3A_262, %logistic3A_260 : vector<128x300xf32>
    %logistic3A_264 = arith.divf %logistic3A_262, %logistic3A_263 : vector<128x300xf32>
    %slice3A_265 = vector.extract_strided_slice %add3A_250 {offsets = [0, 600], sizes = [128, 300], strides = [1, 1]} : vector<128x1200xf32> to vector<128x300xf32>
    %tanh3A_266 = math.tanh %slice3A_265 : vector<128x300xf32>
    %slice3A_267 = vector.extract_strided_slice %add3A_250 {offsets = [0, 900], sizes = [128, 300], strides = [1, 1]} : vector<128x1200xf32> to vector<128x300xf32>
    %logistic3A_268 = arith.negf %slice3A_267 : vector<128x300xf32>
    %logistic3A_269 = math.exp %logistic3A_268 : vector<128x300xf32>
    %logistic3A_270 = arith.constant 1.000000e+00 : f32
    %logistic3A_271 = vector.broadcast %logistic3A_270 : f32 to vector<128x300xf32>
    %logistic3A_272 = arith.addf %logistic3A_271, %logistic3A_269 : vector<128x300xf32>
    %logistic3A_273 = arith.divf %logistic3A_271, %logistic3A_272 : vector<128x300xf32>
    %mul3A_274 = arith.mulf %logistic3A_264, %add3A_232 : vector<128x300xf32>
    %mul3A_275 = arith.mulf %logistic3A_257, %tanh3A_266 : vector<128x300xf32>
    %add3A_276 = arith.addf %mul3A_274, %mul3A_275 : vector<128x300xf32>
    %tanh3A_277 = math.tanh %add3A_276 : vector<128x300xf32>
    %mul3A_278 = arith.mulf %logistic3A_273, %tanh3A_277 : vector<128x300xf32>
    %sub3A = arith.subf %get3A_3, %get3A_8 : vector<128x1200xf32>
    %add3A_279 = arith.addf %sub3A, %get3A_13 : vector<128x1200xf32>
    %concatenate3A = tpu.concatenate %get3A_3, %get3A_8, %get3A_13, %add3A_279, %mul3A_142, %mul3A_278 in 1 : vector<128x1200xf32>, vector<128x1200xf32>, vector<128x1200xf32>, vector<128x1200xf32>, vector<128x300xf32>, vector<128x300xf32> -> vector<128x5400xf32>
    %get3A_280 = arith.constant 0 : index
    %get3A_281 = arith.constant 0 : index
    %get3A_282 = vector.load %arg7[%get3A_280, %get3A_281] : memref<5400x300xf32, #tpu.memory_space<vmem>>, vector<5400x300xf32>
    %dot_general3A_283 = arith.constant dense<0.000000e+00> : vector<128x300xf32>
    %dot_general3A_284 = tpu.matmul %concatenate3A, %get3A_282, %dot_general3A_283 {dimension_numbers = #tpu.dot_dimension_numbers<[1], [0], [0], [1], [0, 0, 1, 1], [], []>, transpose_lhs_hint = false} : vector<128x5400xf32>, vector<5400x300xf32>, vector<128x300xf32> -> vector<128x300xf32>
    %get3A_285 = arith.constant 0 : index
    %get3A_286 = arith.constant 0 : index
    %get3A_287 = vector.load %arg8[%get3A_285, %get3A_286] : memref<1x300xf32, #tpu.memory_space<vmem>>, vector<1x300xf32>
    %add3A_288 = vector.broadcast %get3A_287 : vector<1x300xf32> to vector<128x300xf32>
    %add3A_289 = arith.addf %dot_general3A_284, %add3A_288 : vector<128x300xf32>
    %max3A = arith.constant 0.000000e+00 : f32
    %max3A_290 = vector.broadcast %max3A : f32 to vector<128x300xf32>
    %max3A_291 = arith.maximumf %add3A_289, %max3A_290 : vector<128x300xf32>
    %get3A_292 = arith.constant 0 : index
    %get3A_293 = arith.constant 0 : index
    %get3A_294 = vector.load %arg9[%get3A_292, %get3A_293] : memref<5700x300xf32, #tpu.memory_space<vmem>>, vector<5400x300xf32>
    %dot_general3A_295 = arith.constant dense<0.000000e+00> : vector<128x300xf32>
    %dot_general3A_296 = tpu.matmul %concatenate3A, %get3A_294, %dot_general3A_295 {dimension_numbers = #tpu.dot_dimension_numbers<[1], [0], [0], [1], [0, 0, 1, 1], [], []>, transpose_lhs_hint = false} : vector<128x5400xf32>, vector<5400x300xf32>, vector<128x300xf32> -> vector<128x300xf32>
    %get3A_297 = arith.constant 5400 : index
    %get3A_298 = arith.constant 0 : index
    %get3A_299 = vector.load %arg9[%get3A_297, %get3A_298] : memref<5700x300xf32, #tpu.memory_space<vmem>>, vector<300x300xf32>
    %dot_general3A_300 = arith.constant dense<0.000000e+00> : vector<128x300xf32>
    %dot_general3A_301 = tpu.matmul %max3A_291, %get3A_299, %dot_general3A_300 {dimension_numbers = #tpu.dot_dimension_numbers<[1], [0], [0], [1], [0, 0, 1, 1], [], []>, transpose_lhs_hint = false} : vector<128x300xf32>, vector<300x300xf32>, vector<128x300xf32> -> vector<128x300xf32>
    %add3A_302 = arith.addf %dot_general3A_296, %dot_general3A_301 : vector<128x300xf32>
    %get3A_303 = arith.constant 0 : index
    %get3A_304 = arith.constant 0 : index
    %get3A_305 = vector.load %arg10[%get3A_303, %get3A_304] : memref<1x300xf32, #tpu.memory_space<vmem>>, vector<1x300xf32>
    %add3A_306 = vector.broadcast %get3A_305 : vector<1x300xf32> to vector<128x300xf32>
    %add3A_307 = arith.addf %add3A_302, %add3A_306 : vector<128x300xf32>
    %max3A_308 = arith.constant 0.000000e+00 : f32
    %max3A_309 = vector.broadcast %max3A_308 : f32 to vector<128x300xf32>
    %max3A_310 = arith.maximumf %add3A_307, %max3A_309 : vector<128x300xf32>
    %get3A_311 = arith.constant 0 : index
    %get3A_312 = arith.constant 0 : index
    %get3A_313 = vector.load %arg11[%get3A_311, %get3A_312] : memref<300x4xf32, #tpu.memory_space<vmem>>, vector<300x4xf32>
    %dot_general3A_314 = arith.constant dense<0.000000e+00> : vector<128x4xf32>
    %dot_general3A_315 = tpu.matmul %max3A_310, %get3A_313, %dot_general3A_314 {dimension_numbers = #tpu.dot_dimension_numbers<[1], [0], [0], [1], [0, 0, 1, 1], [], []>, transpose_lhs_hint = false} : vector<128x300xf32>, vector<300x4xf32>, vector<128x4xf32> -> vector<128x4xf32>
    %get3A_316 = arith.constant 0 : index
    %get3A_317 = arith.constant 0 : index
    %get3A_318 = vector.load %arg12[%get3A_316, %get3A_317] : memref<1x4xf32, #tpu.memory_space<vmem>>, vector<1x4xf32>
    %add3A_319 = vector.broadcast %get3A_318 : vector<1x4xf32> to vector<128x4xf32>
    %add3A_320 = arith.addf %dot_general3A_315, %add3A_319 : vector<128x4xf32>
    %swap3A = arith.constant 0 : index
    %swap3A_321 = arith.constant 0 : index
    %swap3A_322 = vector.load %arg13[%swap3A, %swap3A_321] : memref<128x4xf32, #tpu.memory_space<vmem>>, vector<128x4xf32>
    tpu.vector_store %arg13[%swap3A, %swap3A_321], %add3A_320 {strides = array<i32>} : memref<128x4xf32, #tpu.memory_space<vmem>>, vector<128x4xf32>,
    return
  }
}

</mosaic_0001>

<sc_bundles>
// kernel: kernel.6.cloned.1.call-start
scs
__scs_entry_jumppad:
0x0: {  	(pc) =	sbr.rel $0x88, $3  }
0x1: {  	(tag) =	ssettag $0x0;
	lr =	simm.s32 $0x1  }
0x2: {  	[smem:$0x3F85] =	sst lr;
	_ =	strace $0xD0000000  }
0x3: {  	_ = 	snop  }
0x4: {  	_ = 	snop  }
0x5: {  	_ = 	snop  }
0x6: {  	_ = 	snop  }
0x7: {  	_ = 	snop  }
__scs_overlays_trampoline_lowered:
0x8: {  	[smem:$0x3F94] =	sst s0  }
0x9: {  	[smem:$0x3F95] =	sst s1  }
0xa: {  	[smem:$0x3F96] =	sst s2  }
0xb: {  	[smem:$0x3F97] =	sst s3  }
0xc: {  	[smem:$0x3F98] =	sst s4  }
0xd: {  	[smem:$0x3F99] =	sst s5  }
0xe: {  	[smem:$0x3F9A] =	sst s6  }
0xf: {  	[smem:$0x3F9B] =	sst s7  }
0x10: {  	[smem:$0x3F9C] =	sst s8  }
0x11: {  	[smem:$0x3F9D] =	sst s9;
	s0 =	simm.s32 @!p0 $0x0  }
0x12: {  	s1 =	sld [smem:$0x3F83];
	s0 =	simm.s32 @p0 $0x1  }
0x13: {  	[smem:$0x3F9E] =	sst s0;
	s0 =	simm.s32 @!p1 $0x0  }
0x14: {  	s2 =	sld [smem:$0x3F82];
	s0 =	simm.s32 @p1 $0x1  }
0x15: {  	[smem:$0x3F9F] =	sst s0;
	s0 =	simm.s32 @!p2 $0x0  }
0x16: {  	s3 =	sld [smem:$0x3FDB];
	s0 =	simm.s32 @p2 $0x1  }
0x17: {  	s4 =	simm.s32 $0x1BF5;
	[smem:$0x3FA1] =	sst s0  }
0x18: {  	s0 =	sld [smem:$0x3F84];
	_ =	swait.ge [sflag:s4], $0x0  }
0x19: {  	s7 =	sld [smem:$0x3F85]  }
0x1a: {  	s8 =	sadd.s32 $0xFFFFE003, lr  }
0x1b: {  	s9 =	sadd.s32 $0xFFFFFEF7, lr;
	s5 =	simm.s32 $0xFFFFFFFF;
	p2 =	slt.u32 s8, $0xFFFFF086  }
0x1c: {  	p1 =	slt.u32 s9, $0xF7A;
	s5 =	simm.s32 @!p2 $0x0  }
0x1d: {  	s5 =	simm.s32 @p1 $0x1;
	p0 =	seq.s32 s7, s2  }
0x1e: {  	s7 =	smul.u32 @!p0 $0xF7A, s2;
	p2 =	seq.s32 @!p0 s5, $0x0  }
0x1f: {  	s9 =	smul.u32 $0xF7A, s1;
	s8 =	simm.s32 @!p0 $0x1BF5;
	p2 =	por !p2, p0  }
0x20: {  	[sflag:s8] =	ssyncset.s32 @!p0 $0xFFFFF086;
	s6 =	sadd.s32 @!p0 s3, s7;
	s7 =	simm.s32 @!p0 $0x108  }
0x21: {  	s3 =	sadd.s32 s3, s9;
	s6 =	sadd.s32 @!p0 $0x88, s6;
	s7 =	simm.s32 @p2 $0x1082  }
0x22: {  	[simem:s7], [sflag:s8] =	dma.local @!p0 [hbm:s6], $0xF7A  }
0x23: {  	s9 =	sor.u32 $0xD0000000, s2;
	s6 =	simm.s32 $0x108;
	_ =	swait.ge @!p0 [sflag:s8], $0x0  }
0x24: {  	s3 =	sadd.s32 $0x88, s3;
	s6 =	simm.s32 @!p1 $0x1082;
	[sflag:s4] =	ssyncset.s32 $0xFFFFF086  }
0x25: {  	[simem:s6], [sflag:s4] =	dma.local [hbm:s3], $0xF7A  }
0x26: {  	[smem:$0x3F85] =	sst s1;
	(tag) =	ssettag s2;
	_ =	strace s9  }
0x27: {  	s1 =	sld [smem:$0x3F95]  }
0x28: {  	s2 =	sld [smem:$0x3F96]  }
0x29: {  	s4 =	sld [smem:$0x3F98]  }
0x2a: {  	p0 =	seq.s32 s5, $0x0;
	s5 =	sld [smem:$0x3F99]  }
0x2b: {  	s6 =	sld [smem:$0x3F9A]  }
0x2c: {  	s7 =	sld [smem:$0x3F9B]  }
0x2d: {  	s3 =	simm.s32 $0x108;
	s8 =	sld [smem:$0x3F9C]  }
0x2e: {  	s3 =	simm.s32 @!p0 $0x1082;
	s9 =	sld [smem:$0x3F9D]  }
0x2f: {  	lr =	sadd.s32 s0, s3;
	s0 =	sld [smem:$0x3F94]  }
0x30: {  	s3 =	sld [smem:$0x3F97]  }
0x31: {  	[smem:$0x3FA0] =	sst s10  }
0x32: {  	s10 =	sld [smem:$0x3F9E];
	_ =	sdelay $0x3  }
0x33: {  	p0 =	seq.s32 s10, $0x1;
	s10 =	sld [smem:$0x3FA0];
	_ =	sdelay $0x3  }
0x34: {  	[smem:$0x3FA0] =	sst s10  }
0x35: {  	s10 =	sld [smem:$0x3F9F];
	_ =	sdelay $0x3  }
0x36: {  	p1 =	seq.s32 s10, $0x1;
	s10 =	sld [smem:$0x3FA0];
	_ =	sdelay $0x3  }
0x37: {  	[smem:$0x3FA0] =	sst s10  }
0x38: {  	s10 =	sld [smem:$0x3FA1]  }
0x39: {  	_ = 	snop;
	(pc) =	sbr.ind lr, $3  }
0x3a: {  	_ = 	snop  }
0x3b: {  	_ = 	snop  }
0x3c: {  	p2 =	seq.s32 s10, $0x1;
	s10 =	sld [smem:$0x3FA0]  }
0x3d: {  	_ =	shalt  }
0x3e: {  	_ =	shalt  }
0x3f: {  	_ =	shalt  }
0x40: {  	_ =	shalt  }
0x41: {  	_ =	shalt  }
0x42: {  	_ =	shalt  }
0x43: {  	_ =	shalt  }
0x44: {  	_ =	shalt  }
0x45: {  	_ =	shalt  }
0x46: {  	_ =	shalt  }
0x47: {  	_ =	shalt  }
0x48: {  	_ =	shalt  }
0x49: {  	_ =	shalt  }
0x4a: {  	_ =	shalt  }
0x4b: {  	_ =	shalt  }
0x4c: {  	_ =	shalt  }
0x4d: {  	_ =	shalt  }
0x4e: {  	_ =	shalt  }
0x4f: {  	_ =	shalt  }
0x50: {  	_ =	shalt  }
0x51: {  	_ =	shalt  }
0x52: {  	_ =	shalt  }
0x53: {  	_ =	shalt  }
0x54: {  	_ =	shalt  }
0x55: {  	_ =	shalt  }
0x56: {  	_ =	shalt  }
0x57: {  	_ =	shalt  }
0x58: {  	_ =	shalt  }
0x59: {  	_ =	shalt  }
0x5a: {  	_ =	shalt  }
0x5b: {  	_ =	shalt  }
0x5c: {  	_ =	shalt  }
0x5d: {  	_ =	shalt  }
0x5e: {  	_ =	shalt  }
0x5f: {  	_ =	shalt  }
0x60: {  	_ =	shalt  }
0x61: {  	_ =	shalt  }
0x62: {  	_ =	shalt  }
0x63: {  	_ =	shalt  }
0x64: {  	_ =	shalt  }
0x65: {  	_ =	shalt  }
0x66: {  	_ =	shalt  }
0x67: {  	_ =	shalt  }
0x68: {  	_ =	shalt  }
0x69: {  	_ =	shalt  }
0x6a: {  	_ =	shalt  }
0x6b: {  	_ =	shalt  }
0x6c: {  	_ =	shalt  }
0x6d: {  	_ =	shalt  }
0x6e: {  	_ =	shalt  }
0x6f: {  	_ =	shalt  }
0x70: {  	_ =	shalt  }
0x71: {  	_ =	shalt  }
0x72: {  	_ =	shalt  }
0x73: {  	_ =	shalt  }
0x74: {  	_ =	shalt  }
0x75: {  	_ =	shalt  }
0x76: {  	_ =	shalt  }
0x77: {  	_ =	shalt  }
0x78: {  	_ =	shalt  }
0x79: {  	_ =	shalt  }
0x7a: {  	_ =	shalt  }
0x7b: {  	_ =	shalt  }
0x7c: {  	_ =	shalt  }
0x7d: {  	_ =	shalt  }
0x7e: {  	_ =	shalt  }
0x7f: {  	_ =	shalt  }
0x80: {  	_ =	shalt  }
0x81: {  	_ =	shalt  }
0x82: {  	_ =	shalt  }
0x83: {  	_ =	shalt  }
0x84: {  	_ =	shalt  }
0x85: {  	_ =	shalt  }
0x86: {  	_ =	shalt  }
0x87: {  	_ =	shalt  }
.Lfunc_end0:
.L_simem_size_0:
called_computation_lowered:
.L_overlay_start_0:
0x88: {  	s2 =	sld [smem:$0x3FD9]  }
0x89: {  	s3 =	sld [smem:$0x3FFE];
	_ =	sdelay $0x1  }
0x8a: {  	s1 =	srdreg.scid  }
0x8b: {  	s0 =	sand.u32 $0x1, s1  }
0x8c: {  	s16 =	sshll.u32 s0, $0xA;
	s2 =	sadd.s32 s3, s2  }
0x8d: {  	s2 =	sadd.s32 s2, s16  }
0x8e: {  	[smem:$0x3FAC] =	sst s2  }
0x8f: {  	_ = 	snop  }
0x90: {  	(tm) =	ssettm $0x1  }
0x91: {  	s17 =	sld [smem:$0x3FFB];
	_ =	sdelay $0x3  }
0x92: {  	_ =	strace s17  }
0x93: {  	s2 =	sld [smem:$0x3FFC];
	_ =	sdelay $0x3  }
0x94: {  	_ =	strace s2  }
0x95: {  	s2 =	sld [smem:$0x3FFD];
	_ =	sdelay $0x3  }
0x96: {  	_ =	strace s2  }
0x97: {  	_ =	strace $0x8FFFFFFF  }
0x98: {  	s18 =	sld [smem:$0x3FDB];
	_ =	sdelay $0x1  }
0x99: {  	s19 =	simm.s32 $_scs_section_size  }
0x9a: {  	s4 =	simm.s32 $_size__tile_overlayer_lowered;
	s5 =	simm.s32 $_tile_overlayer_lowered  }
0x9b: {  	s22 =	simm.s32 $0x1BFF;
	s21 =	sshll.u32 s5, $0x1;
	s2 =	sadd.s32 s19, s18  }
0x9c: {  	s6 =	simm.s32 $0x0;
	s20 =	sshll.u32 s4, $0x1;
	s4 =	sadd.s32 s21, s2  }
0x9d: {  	[timem:s6], [sflag:s22] =	dma.local [hbm:s4], s20  }
0x9e: {  	_ =	swait.ge [sflag:s22], s20  }
0x9f: {  	s3 =	ssub.s32 $0x0, s20;
	[sflag:s22] =	ssyncset.done $0x0  }
0xa0: {  	[sflag:s22] =	ssyncadd.s32 s3;
	_ =	sdelay $0x1  }
0xa1: {  	s23 =	simm.s32 $0x1B8B  }
0xa2: {  	_ =	swait.ge [sflag:s23], $0x1  }
0xa3: {  	[sflag:s23] =	ssyncset.done $0x0  }
0xa4: {  	s25 =	simm.s32 $0x1B8E;
	s24 =	sld [smem:$0x3FFE];
	[sflag:s23] =	ssyncadd.s32 $0xFFFFFFFF  }
0xa5: {  	s26 =	simm.s32 $execute0_lowered;
	[smem:$0x3FD2] =	sst s25  }
0xa6: {  	s4 =	sshll.u32 s26, $0x1;
	_ =	strace $0x80000046;
	[dreg:$0x1] =	wrdreg $0xFFFFFFFF  }
0xa7: {  	s28 =	simm.s32 $_size_execute0_lowered;
	s2 =	sadd.s32 s2, s4;
	[dreg:$0x0] =	wrdreg $0x0  }
0xa8: {  	s4 =	sshll.u32 s28, $0x1;
	[dreg:$0x2] =	wrdreg s2  }
0xa9: {  	[dreg:$0x3] =	wrdreg s4  }
0xaa: {  	[dreg:$0x4] =	wrdreg $0xC0  }
0xab: {  	_ =	task [dreg:s6], $0x5FFFF  }
0xac: {  	[dreg:$0x1] =	wrdreg $0xFFFFFFFF  }
0xad: {  	[dreg:$0x0] =	wrdreg $0x60  }
0xae: {  	[dreg:$0x2] =	wrdreg s24  }
0xaf: {  	[dreg:$0x3] =	wrdreg $0x9  }
0xb0: {  	_ =	task.clear_ibuf [dreg:s6], $0x4FFFF;
	_ =	strace $0x90000046  }
0xb1: {  	s29 =	simm.s32 $0x9;
	_ =	strace $0x80000048  }
0xb2: {  	_ =	swait.ge [sflag:s29], $0x1  }
0xb3: {  	[sflag:s29] =	ssyncadd.s32 $0xFFFFFFFF  }
0xb4: {  	_ =	strace $0x90000048  }
0xb5: {  	_ =	sfence  }
0xb6: {  	s30 =	sld [smem:$0x0];
	_ =	sdelay $0x2  }
0xb7: {  	s31 =	sshll.u32 s1, $0xD;
	s1 =	sshrl.u32 s1, $0x2  }
0xb8: {  	s3 =	sand.u32 $0x4000, s31;
	s1 =	sadd.s32 s1, s30  }
0xb9: {  	s0 =	sor.u32 s3, s0;
	s1 =	sshll.u32 s1, $0x11  }
0xba: {  	s0 =	sor.u32 s1, s0  }
0xbb: {  	s0 =	sadd.s32 $0x8F2B, s0  }
0xbc: {  	[sflag:s0] =	ssyncadd.remote.s32 $0x1  }
0xbd: {  	_ =	sfence.sel $0xFFFF  }
0xbe: {  	[dreg:$0x0] =	wrdreg $0xFFFFFFFF;
	(pc) =	sbr.abs _section_cstart, $3  }
0xbf: {  	[dreg:$0x1] =	wrdreg $0xFFFFFFFF  }
0xc0: {  	_ =	task.clear_ibuf [dreg:s6], $0x2FFFF;
	_ =	strace $0x9FFFFFFF  }
0xc1: {  	(tm) =	ssettm $0x7FFFFFFF  }
tec
execute0_lowered:
.L_overlay_start_1:
0x0: {  	(tag) =	ssettag $0x1  }
0x1: {  	s0 =	srdreg.scid;
	s6 =	stileid.u32  }
0x2: {  	s1 =	sand.u32 $0x1, s0;
	s12 =	smul.u32 $0x600, s6  }
0x3: {  	s2 =	smul.u32 $0x300, s1;
	_ =	sdelay $0x1  }
0x4: {  	s0 =	sadd.s32 s2, s12  }
0x5: {  	s2 =	sshrl.u32 s0, $0x3  }
0x6: {  	s0 =	rddreg [dreg:$0x0];
	s3 =	smul.u32 $0x280, s2;
	s2 =	simm.s32 $0x0  }
0x7: {  	s13 =	simm.s32 $0x1700;
	[smem:$0x7FF] =	sst s2  }
0x8: {  	s14 =	simm.s32 $0x2B00;
	_ =	strace $0x80000047;
	[dreg:$0x3] =	wrdreg s13  }
0x9: {  	s15 =	simm.s32 $0x3F00;
	[dreg:$0x4] =	wrdreg s14  }
0xa: {  	s16 =	simm.s32 $0x5300;
	[dreg:$0x5] =	wrdreg s15  }
0xb: {  	s17 =	simm.s32 $0x6700;
	[dreg:$0x6] =	wrdreg s16  }
0xc: {  	s18 =	simm.s32 $0x7B00;
	[dreg:$0x7] =	wrdreg s17  }
0xd: {  	s19 =	simm.s32 $0x8F00;
	[dreg:$0x8] =	wrdreg s18  }
0xe: {  	s20 =	simm.s32 $0xA300;
	[dreg:$0x9] =	wrdreg s19  }
0xf: {  	s21 =	simm.s32 $0xB700;
	[dreg:$0xa] =	wrdreg s20  }
0x10: {  	s22 =	simm.s32 $0xCB00;
	[dreg:$0xb] =	wrdreg s21  }
0x11: {  	s23 =	simm.s32 $0xDF00;
	[dreg:$0xc] =	wrdreg s22  }
0x12: {  	s24 =	simm.s32 $0xF300;
	[dreg:$0xd] =	wrdreg s23  }
0x13: {  	s25 =	simm.s32 $0x10700;
	[dreg:$0xe] =	wrdreg s24  }
0x14: {  	s26 =	simm.s32 $0x11B00;
	[dreg:$0xf] =	wrdreg s25  }
0x15: {  	s4 =	simm.s32 $0x12F00;
	[dreg:$0x10] =	wrdreg s26  }
0x16: {  	s5 =	simm.s32 $0x700;
	[dreg:$0x11] =	wrdreg s4  }
0x17: {  	s7 =	simm.s32 $0x1B00;
	s6 =	sshll.u32 s6, $0x1;
	[dreg:$0x12] =	wrdreg s5  }
0x18: {  	s8 =	simm.s32 $0x2F00;
	s6 =	sor.u32 s1, s6;
	[dreg:$0x13] =	wrdreg s7  }
0x19: {  	s9 =	simm.s32 $0x4300;
	s6 =	smul.u32 $0x300, s6;
	[dreg:$0x14] =	wrdreg s8  }
0x1a: {  	s10 =	simm.s32 $0x5700;
	[dreg:$0x15] =	wrdreg s9  }
0x1b: {  	s11 =	simm.s32 $0x6B00;
	s6 =	sshrl.u32 s6, $0x3;
	[dreg:$0x16] =	wrdreg s10  }
0x1c: {  	s12 =	simm.s32 $0x7F00;
	s6 =	sadd.s32 s6, s0;
	[dreg:$0x17] =	wrdreg s11  }
0x1d: {  	s6 =	sadd.s32 $0x55B200, s6;
	[dreg:$0x18] =	wrdreg s12  }
0x1e: {  	s13 =	simm.s32 $0x9300;
	[smem:$0x7F6] =	sst s6  }
0x1f: {  	s14 =	simm.s32 $0xA700;
	[dreg:$0x19] =	wrdreg s13  }
0x20: {  	s15 =	simm.s32 $0xBB00;
	[dreg:$0x1a] =	wrdreg s14  }
0x21: {  	s16 =	simm.s32 $0xCF00;
	[dreg:$0x1b] =	wrdreg s15  }
0x22: {  	s17 =	simm.s32 $0xE300;
	[dreg:$0x1c] =	wrdreg s16  }
0x23: {  	s18 =	simm.s32 $0xF700;
	[dreg:$0x1d] =	wrdreg s17  }
0x24: {  	s19 =	simm.s32 $0x10B00;
	[dreg:$0x1e] =	wrdreg s18  }
0x25: {  	s20 =	simm.s32 $0x11F00;
	[dreg:$0x1f] =	wrdreg s19  }
0x26: {  	s21 =	simm.s32 $0x13300;
	[smem:$0x7DB] =	sst s20  }
0x27: {  	s22 =	simm.s32 $0xB00;
	[smem:$0x7DC] =	sst s21  }
0x28: {  	s23 =	simm.s32 $0x1F00;
	[smem:$0x7DD] =	sst s22  }
0x29: {  	s24 =	simm.s32 $0x3300;
	[smem:$0x7DE] =	sst s23  }
0x2a: {  	s25 =	simm.s32 $0x4700;
	[smem:$0x7DF] =	sst s24  }
0x2b: {  	s26 =	simm.s32 $0x5B00;
	[smem:$0x7E0] =	sst s25  }
0x2c: {  	s4 =	simm.s32 $0x6F00;
	[smem:$0x7E1] =	sst s26  }
0x2d: {  	s5 =	simm.s32 $0x8300;
	[smem:$0x7E2] =	sst s4  }
0x2e: {  	s7 =	simm.s32 $0x9700;
	[smem:$0x7E3] =	sst s5  }
0x2f: {  	s8 =	simm.s32 $0xAB00;
	[smem:$0x7E4] =	sst s7  }
0x30: {  	s9 =	simm.s32 $0xBF00;
	[smem:$0x7E5] =	sst s8  }
0x31: {  	s10 =	simm.s32 $0xD300;
	[smem:$0x7E6] =	sst s9  }
0x32: {  	s11 =	simm.s32 $0xE700;
	[smem:$0x7E7] =	sst s10  }
0x33: {  	s3 =	sadd.s32 s3, s0;
	s12 =	simm.s32 $0xFB00;
	[smem:$0x7E8] =	sst s11  }
0x34: {  	s3 =	sadd.s32 $0x55BE00, s3;
	[smem:$0x7E9] =	sst s12  }
0x35: {  	s13 =	simm.s32 $0x10F00;
	[dreg:$0x2] =	wrdreg s3  }
0x36: {  	s4 =	simm.s32 $0x12300;
	[smem:$0x7EA] =	sst s13  }
0x37: {  	s5 =	simm.s32 $0x13700;
	[smem:$0x7EB] =	sst s4  }
0x38: {  	s14 =	simm.s32 $0xF00;
	[smem:$0x7EC] =	sst s5  }
0x39: {  	s28 =	simm.s32 $0x12B00;
	s15 =	simm.s32 $0x2300;
	[smem:$0x7ED] =	sst s14  }
0x3a: {  	s29 =	simm.s32 $0x13F00;
	s16 =	simm.s32 $0x3700;
	[smem:$0x7EE] =	sst s15  }
0x3b: {  	s30 =	simm.s32 $0x1;
	s7 =	simm.s32 $0x4B00;
	[smem:$0x7EF] =	sst s16  }
0x3c: {  	s31 =	simm.s32 $0x0;
	s17 =	simm.s32 $0x5F00;
	[smem:$0x7F0] =	sst s7  }
0x3d: {  	s1 =	ssub.s32 $0x2, s1;
	s18 =	simm.s32 $0x7300;
	[smem:$0x7F1] =	sst s17  }
0x3e: {  	s19 =	simm.s32 $0x8700;
	s20 =	simm.s32 $0x9B00;
	[smem:$0x7F2] =	sst s18  }
0x3f: {  	s8 =	sshrl.u32 s1, $0x1;
	s21 =	simm.s32 $0xAF00;
	[smem:$0x7F3] =	sst s19  }
0x40: {  	s22 =	simm.s32 $0xC300;
	s23 =	simm.s32 $0xD700;
	[smem:$0x7F4] =	sst s20  }
0x41: {  	s9 =	simm.s32 $0xEB00;
	s24 =	simm.s32 $0xFF00;
	[smem:$0x7F5] =	sst s21  }
0x42: {  	s25 =	simm.s32 $0x11300;
	s10 =	simm.s32 $0x2;
	[smem:$0x7F7] =	sst s22  }
0x43: {  	s26 =	simm.s32 $0x12700;
	s11 =	simm.s32 $0x300;
	[smem:$0x7F8] =	sst s23  }
0x44: {  	s12 =	simm.s32 $0x13B00;
	s4 =	sadd.s32 $0x24DC00, s0;
	[smem:$0x7F9] =	sst s9  }
0x45: {  	s3 =	sadd.s32 $0x3C00, s0;
	s5 =	sadd.s32 $0x497C00, s0;
	[smem:$0x7FB] =	sst s24  }
0x46: {  	s1 =	ssub.s32 s1, s8;
	s7 =	sadd.s32 $0x3C80, s0;
	[smem:$0x7FC] =	sst s25  }
0x47: {  	s8 =	sadd.s32 $0x24DC80, s0;
	[smem:$0x7FD] =	sst s26;
	s13 =	simm.s32 $0x1300  }
0x48: {  	s14 =	simm.s32 $0x2700;
	s15 =	simm.s32 $0x3B00;
	s16 =	simm.s32 $0x4F00  }
0x49: {  	s17 =	simm.s32 $0x6300;
	s18 =	simm.s32 $0x7700;
	s19 =	simm.s32 $0x8B00  }
0x4a: {  	v2 =	vlaneseq.u32;
	s20 =	simm.s32 $0x9F00;
	s21 =	simm.s32 $0xB300;
	s22 =	simm.s32 $0xC700  }
0x4b: {  	vm0 =	vmmov $0xff;
	v1 =	vshrl.u32 v2, $0x3;
	s23 =	simm.s32 $0xDB00;
	s24 =	simm.s32 $0xEF00;
	s1 =	smax.u32 s1, $0x1  }
0x4c: {  	v0 =	vand.u32 $0x7, v2;
	v2 =	vor.u32 $0x8, v2;
	v1 =	vmul.u32 $0x8, v1;
	s25 =	simm.s32 $0x10300;
	s26 =	simm.s32 $0x11700;
	[smem:$0x7FA] =	sst s1  }
.LBB2_1:
0x4d: {  	s0 =	sld [smem:$0x7F6];
	_ =	sdelay $0x2  }
0x4e: {  	[tilespmem:s2], [sflag:$0x2] =	stream.linear.gather [hbm4b:s0+s2], $0x300, $0x38;
	[tilespmem:$0x14300] =	vst v63  }
0x4f: {  	_ =	swait.ge [sflag:s10], $0x300  }
0x50: {  	[sflag:s10] =	ssyncset.done $0x0  }
0x51: {  	s1 =	simm.s32 $0x40;
	s0 =	simm.s32 $0x0;
	[sflag:s10] =	ssyncadd.s32 $0xFFFFFD00  }
.LBB2_2:
0x52: {  	v3 =	vld [tilespmem:s1+$0xFFFFFFC0];
	_ =	sdelay $0x4  }
0x53: {  	v4 =	vshrl.u32 v3, $0x3  }
0x54: {  	v4 =	vmul.u32 $0x18, v4  }
0x55: {  	v3 =	vand.u32 $0x7, v3  }
0x56: {  	v3 =	vor.u32 v3, v4  }
0x57: {  	v4 =	vperm.xlane v3, v0;
	_ =	sdelay $0x1  }
0x58: {  	v3 =	vperm.xlane v3, v2;
	v4 =	vadd.s32 v1, v4;
	_ =	sdelay $0x1  }
0x59: {  	v3 =	vadd.s32 v1, v3;
	_ =	sdelay $0x2  }
0x5a: {  	[tilespmem:s11], [sflag:$0x1] =	stream.indirect_vreg.gather [hbm4b:s3+s2], $0x80, v4, vm0, $0xb8;
	[tilespmem:$0x14300] =	vst v63  }
0x5b: {  	s6 =	rddreg [dreg:$0x3]  }
0x5c: {  	[tilespmem:s6], [sflag:$0x1] =	stream.indirect_vreg.gather [hbm4b:s3+s2], $0x80, v3, vm0, $0xb8;
	[tilespmem:$0x14300] =	vst v63  }
0x5d: {  	v3 =	vld [tilespmem:s1+$0xFFFFFFD0];
	_ =	sdelay $0x4  }
0x5e: {  	v25 =	vshrl.u32 v3, $0x3  }
0x5f: {  	v4 =	vmul.u32 $0x18, v25  }
0x60: {  	v3 =	vand.u32 $0x7, v3  }
0x61: {  	v3 =	vor.u32 v3, v4  }
0x62: {  	v4 =	vperm.xlane v3, v0;
	_ =	sdelay $0x1  }
0x63: {  	v3 =	vperm.xlane v3, v2;
	v4 =	vadd.s32 v1, v4;
	_ =	sdelay $0x1  }
0x64: {  	v3 =	vadd.s32 v1, v3;
	_ =	sdelay $0x1  }
0x65: {  	s6 =	rddreg [dreg:$0x4]  }
0x66: {  	[tilespmem:s6], [sflag:$0x1] =	stream.indirect_vreg.gather [hbm4b:s3+s2], $0x80, v4, vm0, $0xb8;
	[tilespmem:$0x14300] =	vst v63  }
0x67: {  	s9 =	rddreg [dreg:$0x5]  }
0x68: {  	[tilespmem:s9], [sflag:$0x1] =	stream.indirect_vreg.gather [hbm4b:s3+s2], $0x80, v3, vm0, $0xb8;
	[tilespmem:$0x14300] =	vst v63  }
0x69: {  	v3 =	vld [tilespmem:s1+$0xFFFFFFE0];
	_ =	sdelay $0x4  }
0x6a: {  	v26 =	vshrl.u32 v3, $0x3  }
0x6b: {  	v4 =	vmul.u32 $0x18, v26  }
0x6c: {  	v3 =	vand.u32 $0x7, v3  }
0x6d: {  	v3 =	vor.u32 v3, v4  }
0x6e: {  	v4 =	vperm.xlane v3, v0;
	_ =	sdelay $0x1  }
0x6f: {  	v3 =	vperm.xlane v3, v2;
	v4 =	vadd.s32 v1, v4;
	_ =	sdelay $0x1  }
0x70: {  	v3 =	vadd.s32 v1, v3;
	_ =	sdelay $0x1  }
0x71: {  	s6 =	rddreg [dreg:$0x6]  }
0x72: {  	[tilespmem:s6], [sflag:$0x1] =	stream.indirect_vreg.gather [hbm4b:s3+s2], $0x80, v4, vm0, $0xb8;
	[tilespmem:$0x14300] =	vst v63  }
0x73: {  	s9 =	rddreg [dreg:$0x7]  }
0x74: {  	[tilespmem:s9], [sflag:$0x1] =	stream.indirect_vreg.gather [hbm4b:s3+s2], $0x80, v3, vm0, $0xb8;
	[tilespmem:$0x14300] =	vst v63  }
0x75: {  	v3 =	vld [tilespmem:s1+$0xFFFFFFF0];
	_ =	sdelay $0x4  }
0x76: {  	v27 =	vshrl.u32 v3, $0x3  }
0x77: {  	v4 =	vmul.u32 $0x18, v27  }
0x78: {  	v3 =	vand.u32 $0x7, v3  }
0x79: {  	v3 =	vor.u32 v3, v4  }
0x7a: {  	v4 =	vperm.xlane v3, v0;
	_ =	sdelay $0x1  }
0x7b: {  	v3 =	vperm.xlane v3, v2;
	v4 =	vadd.s32 v1, v4;
	_ =	sdelay $0x1  }
0x7c: {  	v3 =	vadd.s32 v1, v3;
	_ =	sdelay $0x1  }
0x7d: {  	s6 =	rddreg [dreg:$0x8]  }
0x7e: {  	[tilespmem:s6], [sflag:$0x1] =	stream.indirect_vreg.gather [hbm4b:s3+s2], $0x80, v4, vm0, $0xb8;
	[tilespmem:$0x14300] =	vst v63  }
0x7f: {  	s9 =	rddreg [dreg:$0x9]  }
0x80: {  	[tilespmem:s9], [sflag:$0x1] =	stream.indirect_vreg.gather [hbm4b:s3+s2], $0x80, v3, vm0, $0xb8;
	[tilespmem:$0x14300] =	vst v63  }
0x81: {  	v3 =	vld [tilespmem:s1+$0x0];
	_ =	sdelay $0x4  }
0x82: {  	v28 =	vshrl.u32 v3, $0x3  }
0x83: {  	v4 =	vmul.u32 $0x18, v28  }
0x84: {  	v3 =	vand.u32 $0x7, v3  }
0x85: {  	v3 =	vor.u32 v3, v4  }
0x86: {  	v4 =	vperm.xlane v3, v0;
	_ =	sdelay $0x1  }
0x87: {  	v3 =	vperm.xlane v3, v2;
	v4 =	vadd.s32 v1, v4;
	_ =	sdelay $0x1  }
0x88: {  	v3 =	vadd.s32 v1, v3;
	_ =	sdelay $0x1  }
0x89: {  	s6 =	rddreg [dreg:$0xa]  }
0x8a: {  	[tilespmem:s6], [sflag:$0x1] =	stream.indirect_vreg.gather [hbm4b:s3+s2], $0x80, v4, vm0, $0xb8;
	[tilespmem:$0x14300] =	vst v63  }
0x8b: {  	s9 =	rddreg [dreg:$0xb]  }
0x8c: {  	[tilespmem:s9], [sflag:$0x1] =	stream.indirect_vreg.gather [hbm4b:s3+s2], $0x80, v3, vm0, $0xb8;
	[tilespmem:$0x14300] =	vst v63  }
0x8d: {  	v3 =	vld [tilespmem:s1+$0x10];
	_ =	sdelay $0x4  }
0x8e: {  	v29 =	vshrl.u32 v3, $0x3  }
0x8f: {  	v4 =	vmul.u32 $0x18, v29  }
0x90: {  	v3 =	vand.u32 $0x7, v3  }
0x91: {  	v3 =	vor.u32 v3, v4  }
0x92: {  	v4 =	vperm.xlane v3, v0;
	_ =	sdelay $0x1  }
0x93: {  	v3 =	vperm.xlane v3, v2;
	v4 =	vadd.s32 v1, v4;
	_ =	sdelay $0x1  }
0x94: {  	v3 =	vadd.s32 v1, v3;
	_ =	sdelay $0x1  }
0x95: {  	s6 =	rddreg [dreg:$0xc]  }
0x96: {  	[tilespmem:s6], [sflag:$0x1] =	stream.indirect_vreg.gather [hbm4b:s3+s2], $0x80, v4, vm0, $0xb8;
	[tilespmem:$0x14300] =	vst v63  }
0x97: {  	s9 =	rddreg [dreg:$0xd]  }
0x98: {  	[tilespmem:s9], [sflag:$0x1] =	stream.indirect_vreg.gather [hbm4b:s3+s2], $0x80, v3, vm0, $0xb8;
	[tilespmem:$0x14300] =	vst v63  }
0x99: {  	v3 =	vld [tilespmem:s1+$0x20];
	_ =	sdelay $0x4  }
0x9a: {  	v30 =	vshrl.u32 v3, $0x3  }
0x9b: {  	v4 =	vmul.u32 $0x18, v30  }
0x9c: {  	v3 =	vand.u32 $0x7, v3  }
0x9d: {  	v3 =	vor.u32 v3, v4  }
0x9e: {  	v4 =	vperm.xlane v3, v0;
	_ =	sdelay $0x1  }
0x9f: {  	v3 =	vperm.xlane v3, v2;
	v4 =	vadd.s32 v1, v4;
	_ =	sdelay $0x1  }
0xa0: {  	v3 =	vadd.s32 v1, v3;
	_ =	sdelay $0x1  }
0xa1: {  	s6 =	rddreg [dreg:$0xe]  }
0xa2: {  	[tilespmem:s6], [sflag:$0x1] =	stream.indirect_vreg.gather [hbm4b:s3+s2], $0x80, v4, vm0, $0xb8;
	[tilespmem:$0x14300] =	vst v63  }
0xa3: {  	s9 =	rddreg [dreg:$0xf]  }
0xa4: {  	[tilespmem:s9], [sflag:$0x1] =	stream.indirect_vreg.gather [hbm4b:s3+s2], $0x80, v3, vm0, $0xb8;
	[tilespmem:$0x14300] =	vst v63  }
0xa5: {  	v3 =	vld [tilespmem:s1+$0x30];
	_ =	sdelay $0x4  }
0xa6: {  	v31 =	vshrl.u32 v3, $0x3  }
0xa7: {  	v4 =	vmul.u32 $0x18, v31  }
0xa8: {  	v3 =	vand.u32 $0x7, v3  }
0xa9: {  	v3 =	vor.u32 v3, v4  }
0xaa: {  	v4 =	vperm.xlane v3, v0;
	_ =	sdelay $0x1  }
0xab: {  	v3 =	vperm.xlane v3, v2;
	v4 =	vadd.s32 v1, v4;
	_ =	sdelay $0x1  }
0xac: {  	v3 =	vadd.s32 v1, v3;
	_ =	sdelay $0x1  }
0xad: {  	s6 =	rddreg [dreg:$0x10]  }
0xae: {  	[tilespmem:s6], [sflag:$0x1] =	stream.indirect_vreg.gather [hbm4b:s3+s2], $0x80, v4, vm0, $0xb8;
	[tilespmem:$0x14300] =	vst v63  }
0xaf: {  	s9 =	rddreg [dreg:$0x11]  }
0xb0: {  	[tilespmem:s9], [sflag:$0x1] =	stream.indirect_vreg.gather [hbm4b:s3+s2], $0x80, v3, vm0, $0xb8;
	[tilespmem:$0x14300] =	vst v63  }
0xb1: {  	v3 =	vld [tilespmem:s1+$0xFFFFFFC0];
	_ =	sdelay $0x4  }
0xb2: {  	v32 =	vshrl.u32 v3, $0x3  }
0xb3: {  	v4 =	vmul.u32 $0x18, v32  }
0xb4: {  	v3 =	vand.u32 $0x7, v3  }
0xb5: {  	v3 =	vor.u32 v3, v4  }
0xb6: {  	v4 =	vperm.xlane v3, v0;
	_ =	sdelay $0x1  }
0xb7: {  	v3 =	vperm.xlane v3, v2;
	v4 =	vadd.s32 v1, v4;
	_ =	sdelay $0x1  }
0xb8: {  	v3 =	vadd.s32 v1, v3;
	_ =	sdelay $0x1  }
0xb9: {  	s6 =	rddreg [dreg:$0x12]  }
0xba: {  	[tilespmem:s6], [sflag:$0x1] =	stream.indirect_vreg.gather [hbm4b:s7+s2], $0x80, v4, vm0, $0xb8;
	[tilespmem:$0x14300] =	vst v63  }
0xbb: {  	s9 =	rddreg [dreg:$0x13]  }
0xbc: {  	[tilespmem:s9], [sflag:$0x1] =	stream.indirect_vreg.gather [hbm4b:s7+s2], $0x80, v3, vm0, $0xb8;
	[tilespmem:$0x14300] =	vst v63  }
0xbd: {  	v3 =	vld [tilespmem:s1+$0xFFFFFFD0];
	_ =	sdelay $0x4  }
0xbe: {  	v33 =	vshrl.u32 v3, $0x3  }
0xbf: {  	v4 =	vmul.u32 $0x18, v33  }
0xc0: {  	v3 =	vand.u32 $0x7, v3  }
0xc1: {  	v3 =	vor.u32 v3, v4  }
0xc2: {  	v4 =	vperm.xlane v3, v0;
	_ =	sdelay $0x1  }
0xc3: {  	v3 =	vperm.xlane v3, v2;
	v4 =	vadd.s32 v1, v4;
	_ =	sdelay $0x1  }
0xc4: {  	v3 =	vadd.s32 v1, v3;
	_ =	sdelay $0x1  }
0xc5: {  	s6 =	rddreg [dreg:$0x14]  }
0xc6: {  	[tilespmem:s6], [sflag:$0x1] =	stream.indirect_vreg.gather [hbm4b:s7+s2], $0x80, v4, vm0, $0xb8;
	[tilespmem:$0x14300] =	vst v63  }
0xc7: {  	s9 =	rddreg [dreg:$0x15]  }
0xc8: {  	[tilespmem:s9], [sflag:$0x1] =	stream.indirect_vreg.gather [hbm4b:s7+s2], $0x80, v3, vm0, $0xb8;
	[tilespmem:$0x14300] =	vst v63  }
0xc9: {  	v3 =	vld [tilespmem:s1+$0xFFFFFFE0];
	_ =	sdelay $0x4  }
0xca: {  	v34 =	vshrl.u32 v3, $0x3  }
0xcb: {  	v4 =	vmul.u32 $0x18, v34  }
0xcc: {  	v3 =	vand.u32 $0x7, v3  }
0xcd: {  	v3 =	vor.u32 v3, v4  }
0xce: {  	v4 =	vperm.xlane v3, v0;
	_ =	sdelay $0x1  }
0xcf: {  	v3 =	vperm.xlane v3, v2;
	v4 =	vadd.s32 v1, v4;
	_ =	sdelay $0x1  }
0xd0: {  	v3 =	vadd.s32 v1, v3;
	_ =	sdelay $0x1  }
0xd1: {  	s6 =	rddreg [dreg:$0x16]  }
0xd2: {  	[tilespmem:s6], [sflag:$0x1] =	stream.indirect_vreg.gather [hbm4b:s7+s2], $0x80, v4, vm0, $0xb8;
	[tilespmem:$0x14300] =	vst v63  }
0xd3: {  	s9 =	rddreg [dreg:$0x17]  }
0xd4: {  	[tilespmem:s9], [sflag:$0x1] =	stream.indirect_vreg.gather [hbm4b:s7+s2], $0x80, v3, vm0, $0xb8;
	[tilespmem:$0x14300] =	vst v63  }
0xd5: {  	v3 =	vld [tilespmem:s1+$0xFFFFFFF0];
	_ =	sdelay $0x4  }
0xd6: {  	v35 =	vshrl.u32 v3, $0x3  }
0xd7: {  	v4 =	vmul.u32 $0x18, v35  }
0xd8: {  	v3 =	vand.u32 $0x7, v3  }
0xd9: {  	v3 =	vor.u32 v3, v4  }
0xda: {  	v4 =	vperm.xlane v3, v0;
	_ =	sdelay $0x1  }
0xdb: {  	v3 =	vperm.xlane v3, v2;
	v4 =	vadd.s32 v1, v4;
	_ =	sdelay $0x1  }
0xdc: {  	v3 =	vadd.s32 v1, v3;
	_ =	sdelay $0x1  }
0xdd: {  	s6 =	rddreg [dreg:$0x18]  }
0xde: {  	[tilespmem:s6], [sflag:$0x1] =	stream.indirect_vreg.gather [hbm4b:s7+s2], $0x80, v4, vm0, $0xb8;
	[tilespmem:$0x14300] =	vst v63  }
0xdf: {  	s9 =	rddreg [dreg:$0x19]  }
0xe0: {  	[tilespmem:s9], [sflag:$0x1] =	stream.indirect_vreg.gather [hbm4b:s7+s2], $0x80, v3, vm0, $0xb8;
	[tilespmem:$0x14300] =	vst v63  }
0xe1: {  	v3 =	vld [tilespmem:s1+$0x0];
	_ =	sdelay $0x4  }
0xe2: {  	v36 =	vshrl.u32 v3, $0x3  }
0xe3: {  	v4 =	vmul.u32 $0x18, v36  }
0xe4: {  	v3 =	vand.u32 $0x7, v3  }
0xe5: {  	v3 =	vor.u32 v3, v4  }
0xe6: {  	v4 =	vperm.xlane v3, v0;
	_ =	sdelay $0x1  }
0xe7: {  	v3 =	vperm.xlane v3, v2;
	v4 =	vadd.s32 v1, v4;
	_ =	sdelay $0x1  }
0xe8: {  	v3 =	vadd.s32 v1, v3;
	_ =	sdelay $0x1  }
0xe9: {  	s6 =	rddreg [dreg:$0x1a]  }
0xea: {  	[tilespmem:s6], [sflag:$0x1] =	stream.indirect_vreg.gather [hbm4b:s7+s2], $0x80, v4, vm0, $0xb8;
	[tilespmem:$0x14300] =	vst v63  }
0xeb: {  	s9 =	rddreg [dreg:$0x1b]  }
0xec: {  	[tilespmem:s9], [sflag:$0x1] =	stream.indirect_vreg.gather [hbm4b:s7+s2], $0x80, v3, vm0, $0xb8;
	[tilespmem:$0x14300] =	vst v63  }
0xed: {  	v3 =	vld [tilespmem:s1+$0x10];
	_ =	sdelay $0x4  }
0xee: {  	v37 =	vshrl.u32 v3, $0x3  }
0xef: {  	v4 =	vmul.u32 $0x18, v37  }
0xf0: {  	v3 =	vand.u32 $0x7, v3  }
0xf1: {  	v3 =	vor.u32 v3, v4  }
0xf2: {  	v4 =	vperm.xlane v3, v0;
	_ =	sdelay $0x1  }
0xf3: {  	v3 =	vperm.xlane v3, v2;
	v4 =	vadd.s32 v1, v4;
	_ =	sdelay $0x1  }
0xf4: {  	v3 =	vadd.s32 v1, v3;
	_ =	sdelay $0x1  }
0xf5: {  	s6 =	rddreg [dreg:$0x1c]  }
0xf6: {  	[tilespmem:s6], [sflag:$0x1] =	stream.indirect_vreg.gather [hbm4b:s7+s2], $0x80, v4, vm0, $0xb8;
	[tilespmem:$0x14300] =	vst v63  }
0xf7: {  	s9 =	rddreg [dreg:$0x1d]  }
0xf8: {  	[tilespmem:s9], [sflag:$0x1] =	stream.indirect_vreg.gather [hbm4b:s7+s2], $0x80, v3, vm0, $0xb8;
	[tilespmem:$0x14300] =	vst v63  }
0xf9: {  	v3 =	vld [tilespmem:s1+$0x20];
	_ =	sdelay $0x4  }
0xfa: {  	v38 =	vshrl.u32 v3, $0x3  }
0xfb: {  	v4 =	vmul.u32 $0x18, v38  }
0xfc: {  	v3 =	vand.u32 $0x7, v3  }
0xfd: {  	v3 =	vor.u32 v3, v4  }
0xfe: {  	v4 =	vperm.xlane v3, v0;
	_ =	sdelay $0x1  }
0xff: {  	v3 =	vperm.xlane v3, v2;
	v4 =	vadd.s32 v1, v4;
	_ =	sdelay $0x1  }
0x100: {  	v3 =	vadd.s32 v1, v3;
	_ =	sdelay $0x1  }
0x101: {  	s6 =	rddreg [dreg:$0x1e]  }
0x102: {  	[tilespmem:s6], [sflag:$0x1] =	stream.indirect_vreg.gather [hbm4b:s7+s2], $0x80, v4, vm0, $0xb8;
	[tilespmem:$0x14300] =	vst v63  }
0x103: {  	s9 =	rddreg [dreg:$0x1f]  }
0x104: {  	[tilespmem:s9], [sflag:$0x1] =	stream.indirect_vreg.gather [hbm4b:s7+s2], $0x80, v3, vm0, $0xb8;
	[tilespmem:$0x14300] =	vst v63  }
0x105: {  	v3 =	vld [tilespmem:s1+$0x30];
	_ =	sdelay $0x4  }
0x106: {  	v39 =	vshrl.u32 v3, $0x3  }
0x107: {  	v4 =	vmul.u32 $0x18, v39  }
0x108: {  	v3 =	vand.u32 $0x7, v3  }
0x109: {  	v3 =	vor.u32 v3, v4  }
0x10a: {  	v4 =	vperm.xlane v3, v0;
	_ =	sdelay $0x1  }
0x10b: {  	v3 =	vperm.xlane v3, v2;
	v4 =	vadd.s32 v1, v4;
	_ =	sdelay $0x1  }
0x10c: {  	s6 =	sld [smem:$0x7DB];
	v3 =	vadd.s32 v1, v3;
	_ =	sdelay $0x1  }
0x10d: {  	s9 =	sld [smem:$0x7DC]  }
0x10e: {  	[tilespmem:s6], [sflag:$0x1] =	stream.indirect_vreg.gather [hbm4b:s7+s2], $0x80, v4, vm0, $0xb8;
	[tilespmem:$0x14300] =	vst v63  }
0x10f: {  	_ = 	snop  }
0x110: {  	[tilespmem:s9], [sflag:$0x1] =	stream.indirect_vreg.gather [hbm4b:s7+s2], $0x80, v3, vm0, $0xb8;
	[tilespmem:$0x14300] =	vst v63  }
0x111: {  	v3 =	vld [tilespmem:s1+$0xFFFFFFC0];
	_ =	sdelay $0x4  }
0x112: {  	v40 =	vshrl.u32 v3, $0x3  }
0x113: {  	v4 =	vmul.u32 $0x18, v40  }
0x114: {  	v3 =	vand.u32 $0x7, v3  }
0x115: {  	v3 =	vor.u32 v3, v4  }
0x116: {  	v4 =	vperm.xlane v3, v0;
	_ =	sdelay $0x1  }
0x117: {  	v3 =	vperm.xlane v3, v2;
	v4 =	vadd.s32 v1, v4;
	_ =	sdelay $0x1  }
0x118: {  	s6 =	sld [smem:$0x7DD];
	v3 =	vadd.s32 v1, v3;
	_ =	sdelay $0x1  }
0x119: {  	s9 =	sld [smem:$0x7DE]  }
0x11a: {  	[tilespmem:s6], [sflag:$0x1] =	stream.indirect_vreg.gather [hbm4b:s4+s2], $0x80, v4, vm0, $0xb8;
	[tilespmem:$0x14300] =	vst v63  }
0x11b: {  	_ = 	snop  }
0x11c: {  	[tilespmem:s9], [sflag:$0x1] =	stream.indirect_vreg.gather [hbm4b:s4+s2], $0x80, v3, vm0, $0xb8;
	[tilespmem:$0x14300] =	vst v63  }
0x11d: {  	v3 =	vld [tilespmem:s1+$0xFFFFFFD0];
	_ =	sdelay $0x4  }
0x11e: {  	v41 =	vshrl.u32 v3, $0x3  }
0x11f: {  	v4 =	vmul.u32 $0x18, v41  }
0x120: {  	v3 =	vand.u32 $0x7, v3  }
0x121: {  	v3 =	vor.u32 v3, v4  }
0x122: {  	v4 =	vperm.xlane v3, v0;
	_ =	sdelay $0x1  }
0x123: {  	v3 =	vperm.xlane v3, v2;
	v4 =	vadd.s32 v1, v4;
	_ =	sdelay $0x1  }
0x124: {  	s6 =	sld [smem:$0x7DF];
	v3 =	vadd.s32 v1, v3;
	_ =	sdelay $0x1  }
0x125: {  	s9 =	sld [smem:$0x7E0]  }
0x126: {  	[tilespmem:s6], [sflag:$0x1] =	stream.indirect_vreg.gather [hbm4b:s4+s2], $0x80, v4, vm0, $0xb8;
	[tilespmem:$0x14300] =	vst v63  }
0x127: {  	_ = 	snop  }
0x128: {  	[tilespmem:s9], [sflag:$0x1] =	stream.indirect_vreg.gather [hbm4b:s4+s2], $0x80, v3, vm0, $0xb8;
	[tilespmem:$0x14300] =	vst v63  }
0x129: {  	v3 =	vld [tilespmem:s1+$0xFFFFFFE0];
	_ =	sdelay $0x4  }
0x12a: {  	v42 =	vshrl.u32 v3, $0x3  }
0x12b: {  	v4 =	vmul.u32 $0x18, v42  }
0x12c: {  	v3 =	vand.u32 $0x7, v3  }
0x12d: {  	v3 =	vor.u32 v3, v4  }
0x12e: {  	v4 =	vperm.xlane v3, v0;
	_ =	sdelay $0x1  }
0x12f: {  	v3 =	vperm.xlane v3, v2;
	v4 =	vadd.s32 v1, v4;
	_ =	sdelay $0x1  }
0x130: {  	s6 =	sld [smem:$0x7E1];
	v3 =	vadd.s32 v1, v3;
	_ =	sdelay $0x1  }
0x131: {  	s9 =	sld [smem:$0x7E2]  }
0x132: {  	[tilespmem:s6], [sflag:$0x1] =	stream.indirect_vreg.gather [hbm4b:s4+s2], $0x80, v4, vm0, $0xb8;
	[tilespmem:$0x14300] =	vst v63  }
0x133: {  	_ = 	snop  }
0x134: {  	[tilespmem:s9], [sflag:$0x1] =	stream.indirect_vreg.gather [hbm4b:s4+s2], $0x80, v3, vm0, $0xb8;
	[tilespmem:$0x14300] =	vst v63  }
0x135: {  	v3 =	vld [tilespmem:s1+$0xFFFFFFF0];
	_ =	sdelay $0x4  }
0x136: {  	v43 =	vshrl.u32 v3, $0x3  }
0x137: {  	v4 =	vmul.u32 $0x18, v43  }
0x138: {  	v3 =	vand.u32 $0x7, v3  }
0x139: {  	v3 =	vor.u32 v3, v4  }
0x13a: {  	v4 =	vperm.xlane v3, v0;
	_ =	sdelay $0x1  }
0x13b: {  	v3 =	vperm.xlane v3, v2;
	v4 =	vadd.s32 v1, v4;
	_ =	sdelay $0x1  }
0x13c: {  	s6 =	sld [smem:$0x7E3];
	v3 =	vadd.s32 v1, v3;
	_ =	sdelay $0x1  }
0x13d: {  	s9 =	sld [smem:$0x7E4]  }
0x13e: {  	[tilespmem:s6], [sflag:$0x1] =	stream.indirect_vreg.gather [hbm4b:s4+s2], $0x80, v4, vm0, $0xb8;
	[tilespmem:$0x14300] =	vst v63  }
0x13f: {  	_ = 	snop  }
0x140: {  	[tilespmem:s9], [sflag:$0x1] =	stream.indirect_vreg.gather [hbm4b:s4+s2], $0x80, v3, vm0, $0xb8;
	[tilespmem:$0x14300] =	vst v63  }
0x141: {  	v3 =	vld [tilespmem:s1+$0x0];
	_ =	sdelay $0x4  }
0x142: {  	v44 =	vshrl.u32 v3, $0x3  }
0x143: {  	v4 =	vmul.u32 $0x18, v44  }
0x144: {  	v3 =	vand.u32 $0x7, v3  }
0x145: {  	v3 =	vor.u32 v3, v4  }
0x146: {  	v4 =	vperm.xlane v3, v0;
	_ =	sdelay $0x1  }
0x147: {  	v3 =	vperm.xlane v3, v2;
	v4 =	vadd.s32 v1, v4;
	_ =	sdelay $0x1  }
0x148: {  	s6 =	sld [smem:$0x7E5];
	v3 =	vadd.s32 v1, v3;
	_ =	sdelay $0x1  }
0x149: {  	s9 =	sld [smem:$0x7E6]  }
0x14a: {  	[tilespmem:s6], [sflag:$0x1] =	stream.indirect_vreg.gather [hbm4b:s4+s2], $0x80, v4, vm0, $0xb8;
	[tilespmem:$0x14300] =	vst v63  }
0x14b: {  	_ = 	snop  }
0x14c: {  	[tilespmem:s9], [sflag:$0x1] =	stream.indirect_vreg.gather [hbm4b:s4+s2], $0x80, v3, vm0, $0xb8;
	[tilespmem:$0x14300] =	vst v63  }
0x14d: {  	v3 =	vld [tilespmem:s1+$0x10];
	_ =	sdelay $0x4  }
0x14e: {  	v45 =	vshrl.u32 v3, $0x3  }
0x14f: {  	v4 =	vmul.u32 $0x18, v45  }
0x150: {  	v3 =	vand.u32 $0x7, v3  }
0x151: {  	v3 =	vor.u32 v3, v4  }
0x152: {  	v4 =	vperm.xlane v3, v0;
	_ =	sdelay $0x1  }
0x153: {  	v3 =	vperm.xlane v3, v2;
	v4 =	vadd.s32 v1, v4;
	_ =	sdelay $0x1  }
0x154: {  	s6 =	sld [smem:$0x7E7];
	v3 =	vadd.s32 v1, v3;
	_ =	sdelay $0x1  }
0x155: {  	s9 =	sld [smem:$0x7E8]  }
0x156: {  	[tilespmem:s6], [sflag:$0x1] =	stream.indirect_vreg.gather [hbm4b:s4+s2], $0x80, v4, vm0, $0xb8;
	[tilespmem:$0x14300] =	vst v63  }
0x157: {  	_ = 	snop  }
0x158: {  	[tilespmem:s9], [sflag:$0x1] =	stream.indirect_vreg.gather [hbm4b:s4+s2], $0x80, v3, vm0, $0xb8;
	[tilespmem:$0x14300] =	vst v63  }
0x159: {  	v3 =	vld [tilespmem:s1+$0x20];
	_ =	sdelay $0x4  }
0x15a: {  	v46 =	vshrl.u32 v3, $0x3  }
0x15b: {  	v4 =	vmul.u32 $0x18, v46  }
0x15c: {  	v3 =	vand.u32 $0x7, v3  }
0x15d: {  	v3 =	vor.u32 v3, v4  }
0x15e: {  	v4 =	vperm.xlane v3, v0;
	_ =	sdelay $0x1  }
0x15f: {  	v3 =	vperm.xlane v3, v2;
	v4 =	vadd.s32 v1, v4;
	_ =	sdelay $0x1  }
0x160: {  	s6 =	sld [smem:$0x7E9];
	v3 =	vadd.s32 v1, v3;
	_ =	sdelay $0x1  }
0x161: {  	s9 =	sld [smem:$0x7EA]  }
0x162: {  	[tilespmem:s6], [sflag:$0x1] =	stream.indirect_vreg.gather [hbm4b:s4+s2], $0x80, v4, vm0, $0xb8;
	[tilespmem:$0x14300] =	vst v63  }
0x163: {  	_ = 	snop  }
0x164: {  	[tilespmem:s9], [sflag:$0x1] =	stream.indirect_vreg.gather [hbm4b:s4+s2], $0x80, v3, vm0, $0xb8;
	[tilespmem:$0x14300] =	vst v63  }
0x165: {  	v3 =	vld [tilespmem:s1+$0x30];
	_ =	sdelay $0x4  }
0x166: {  	v47 =	vshrl.u32 v3, $0x3  }
0x167: {  	v4 =	vmul.u32 $0x18, v47  }
0x168: {  	v3 =	vand.u32 $0x7, v3  }
0x169: {  	v3 =	vor.u32 v3, v4  }
0x16a: {  	v4 =	vperm.xlane v3, v0;
	_ =	sdelay $0x1  }
0x16b: {  	v3 =	vperm.xlane v3, v2;
	v4 =	vadd.s32 v1, v4;
	_ =	sdelay $0x1  }
0x16c: {  	s6 =	sld [smem:$0x7EB];
	v3 =	vadd.s32 v1, v3;
	_ =	sdelay $0x1  }
0x16d: {  	s9 =	sld [smem:$0x7EC]  }
0x16e: {  	[tilespmem:s6], [sflag:$0x1] =	stream.indirect_vreg.gather [hbm4b:s4+s2], $0x80, v4, vm0, $0xb8;
	[tilespmem:$0x14300] =	vst v63  }
0x16f: {  	_ = 	snop  }
0x170: {  	[tilespmem:s9], [sflag:$0x1] =	stream.indirect_vreg.gather [hbm4b:s4+s2], $0x80, v3, vm0, $0xb8;
	[tilespmem:$0x14300] =	vst v63  }
0x171: {  	v3 =	vld [tilespmem:s1+$0xFFFFFFC0];
	_ =	sdelay $0x4  }
0x172: {  	v48 =	vshrl.u32 v3, $0x3  }
0x173: {  	v4 =	vmul.u32 $0x18, v48  }
0x174: {  	v3 =	vand.u32 $0x7, v3  }
0x175: {  	v3 =	vor.u32 v3, v4  }
0x176: {  	v4 =	vperm.xlane v3, v0;
	_ =	sdelay $0x1  }
0x177: {  	v3 =	vperm.xlane v3, v2;
	v4 =	vadd.s32 v1, v4;
	_ =	sdelay $0x1  }
0x178: {  	s6 =	sld [smem:$0x7ED];
	v3 =	vadd.s32 v1, v3;
	_ =	sdelay $0x1  }
0x179: {  	s9 =	sld [smem:$0x7EE]  }
0x17a: {  	[tilespmem:s6], [sflag:$0x1] =	stream.indirect_vreg.gather [hbm4b:s8+s2], $0x80, v4, vm0, $0xb8;
	[tilespmem:$0x14300] =	vst v63  }
0x17b: {  	_ = 	snop  }
0x17c: {  	[tilespmem:s9], [sflag:$0x1] =	stream.indirect_vreg.gather [hbm4b:s8+s2], $0x80, v3, vm0, $0xb8;
	[tilespmem:$0x14300] =	vst v63  }
0x17d: {  	v3 =	vld [tilespmem:s1+$0xFFFFFFD0];
	_ =	sdelay $0x4  }
0x17e: {  	v49 =	vshrl.u32 v3, $0x3  }
0x17f: {  	v4 =	vmul.u32 $0x18, v49  }
0x180: {  	v3 =	vand.u32 $0x7, v3  }
0x181: {  	v3 =	vor.u32 v3, v4  }
0x182: {  	v4 =	vperm.xlane v3, v0;
	_ =	sdelay $0x1  }
0x183: {  	v3 =	vperm.xlane v3, v2;
	v4 =	vadd.s32 v1, v4;
	_ =	sdelay $0x1  }
0x184: {  	s6 =	sld [smem:$0x7EF];
	v3 =	vadd.s32 v1, v3;
	_ =	sdelay $0x1  }
0x185: {  	s9 =	sld [smem:$0x7F0]  }
0x186: {  	[tilespmem:s6], [sflag:$0x1] =	stream.indirect_vreg.gather [hbm4b:s8+s2], $0x80, v4, vm0, $0xb8;
	[tilespmem:$0x14300] =	vst v63  }
0x187: {  	_ = 	snop  }
0x188: {  	[tilespmem:s9], [sflag:$0x1] =	stream.indirect_vreg.gather [hbm4b:s8+s2], $0x80, v3, vm0, $0xb8;
	[tilespmem:$0x14300] =	vst v63  }
0x189: {  	v3 =	vld [tilespmem:s1+$0xFFFFFFE0];
	_ =	sdelay $0x4  }
0x18a: {  	v50 =	vshrl.u32 v3, $0x3  }
0x18b: {  	v4 =	vmul.u32 $0x18, v50  }
0x18c: {  	v3 =	vand.u32 $0x7, v3  }
0x18d: {  	v3 =	vor.u32 v3, v4  }
0x18e: {  	v4 =	vperm.xlane v3, v0;
	_ =	sdelay $0x1  }
0x18f: {  	v3 =	vperm.xlane v3, v2;
	v4 =	vadd.s32 v1, v4;
	_ =	sdelay $0x1  }
0x190: {  	s6 =	sld [smem:$0x7F1];
	v3 =	vadd.s32 v1, v3;
	_ =	sdelay $0x1  }
0x191: {  	s9 =	sld [smem:$0x7F2]  }
0x192: {  	[tilespmem:s6], [sflag:$0x1] =	stream.indirect_vreg.gather [hbm4b:s8+s2], $0x80, v4, vm0, $0xb8;
	[tilespmem:$0x14300] =	vst v63  }
0x193: {  	_ = 	snop  }
0x194: {  	[tilespmem:s9], [sflag:$0x1] =	stream.indirect_vreg.gather [hbm4b:s8+s2], $0x80, v3, vm0, $0xb8;
	[tilespmem:$0x14300] =	vst v63  }
0x195: {  	v3 =	vld [tilespmem:s1+$0xFFFFFFF0];
	_ =	sdelay $0x4  }
0x196: {  	v51 =	vshrl.u32 v3, $0x3  }
0x197: {  	v4 =	vmul.u32 $0x18, v51  }
0x198: {  	v3 =	vand.u32 $0x7, v3  }
0x199: {  	v3 =	vor.u32 v3, v4  }
0x19a: {  	v4 =	vperm.xlane v3, v0;
	_ =	sdelay $0x1  }
0x19b: {  	v3 =	vperm.xlane v3, v2;
	v4 =	vadd.s32 v1, v4;
	_ =	sdelay $0x1  }
0x19c: {  	s6 =	sld [smem:$0x7F3];
	v3 =	vadd.s32 v1, v3;
	_ =	sdelay $0x1  }
0x19d: {  	s9 =	sld [smem:$0x7F4]  }
0x19e: {  	[tilespmem:s6], [sflag:$0x1] =	stream.indirect_vreg.gather [hbm4b:s8+s2], $0x80, v4, vm0, $0xb8;
	[tilespmem:$0x14300] =	vst v63  }
0x19f: {  	_ = 	snop  }
0x1a0: {  	[tilespmem:s9], [sflag:$0x1] =	stream.indirect_vreg.gather [hbm4b:s8+s2], $0x80, v3, vm0, $0xb8;
	[tilespmem:$0x14300] =	vst v63  }
0x1a1: {  	v3 =	vld [tilespmem:s1+$0x0];
	_ =	sdelay $0x4  }
0x1a2: {  	v52 =	vshrl.u32 v3, $0x3  }
0x1a3: {  	v4 =	vmul.u32 $0x18, v52  }
0x1a4: {  	v3 =	vand.u32 $0x7, v3  }
0x1a5: {  	v3 =	vor.u32 v3, v4  }
0x1a6: {  	v4 =	vperm.xlane v3, v0;
	_ =	sdelay $0x1  }
0x1a7: {  	v3 =	vperm.xlane v3, v2;
	v4 =	vadd.s32 v1, v4;
	_ =	sdelay $0x1  }
0x1a8: {  	s6 =	sld [smem:$0x7F5];
	v3 =	vadd.s32 v1, v3;
	_ =	sdelay $0x1  }
0x1a9: {  	s9 =	sld [smem:$0x7F7]  }
0x1aa: {  	[tilespmem:s6], [sflag:$0x1] =	stream.indirect_vreg.gather [hbm4b:s8+s2], $0x80, v4, vm0, $0xb8;
	[tilespmem:$0x14300] =	vst v63  }
0x1ab: {  	_ = 	snop  }
0x1ac: {  	[tilespmem:s9], [sflag:$0x1] =	stream.indirect_vreg.gather [hbm4b:s8+s2], $0x80, v3, vm0, $0xb8;
	[tilespmem:$0x14300] =	vst v63  }
0x1ad: {  	v3 =	vld [tilespmem:s1+$0x10];
	_ =	sdelay $0x4  }
0x1ae: {  	v53 =	vshrl.u32 v3, $0x3  }
0x1af: {  	v4 =	vmul.u32 $0x18, v53  }
0x1b0: {  	v3 =	vand.u32 $0x7, v3  }
0x1b1: {  	v3 =	vor.u32 v3, v4  }
0x1b2: {  	v4 =	vperm.xlane v3, v0;
	_ =	sdelay $0x1  }
0x1b3: {  	v3 =	vperm.xlane v3, v2;
	v4 =	vadd.s32 v1, v4;
	_ =	sdelay $0x1  }
0x1b4: {  	s6 =	sld [smem:$0x7F8];
	v3 =	vadd.s32 v1, v3;
	_ =	sdelay $0x1  }
0x1b5: {  	s9 =	sld [smem:$0x7F9]  }
0x1b6: {  	[tilespmem:s6], [sflag:$0x1] =	stream.indirect_vreg.gather [hbm4b:s8+s2], $0x80, v4, vm0, $0xb8;
	[tilespmem:$0x14300] =	vst v63  }
0x1b7: {  	_ = 	snop  }
0x1b8: {  	[tilespmem:s9], [sflag:$0x1] =	stream.indirect_vreg.gather [hbm4b:s8+s2], $0x80, v3, vm0, $0xb8;
	[tilespmem:$0x14300] =	vst v63  }
0x1b9: {  	v3 =	vld [tilespmem:s1+$0x20];
	_ =	sdelay $0x4  }
0x1ba: {  	v54 =	vshrl.u32 v3, $0x3  }
0x1bb: {  	v4 =	vmul.u32 $0x18, v54  }
0x1bc: {  	v3 =	vand.u32 $0x7, v3  }
0x1bd: {  	v3 =	vor.u32 v3, v4  }
0x1be: {  	v4 =	vperm.xlane v3, v0;
	_ =	sdelay $0x1  }
0x1bf: {  	v3 =	vperm.xlane v3, v2;
	v4 =	vadd.s32 v1, v4;
	_ =	sdelay $0x1  }
0x1c0: {  	s6 =	sld [smem:$0x7FB];
	v3 =	vadd.s32 v1, v3;
	_ =	sdelay $0x1  }
0x1c1: {  	s9 =	sld [smem:$0x7FC]  }
0x1c2: {  	[tilespmem:s6], [sflag:$0x1] =	stream.indirect_vreg.gather [hbm4b:s8+s2], $0x80, v4, vm0, $0xb8;
	[tilespmem:$0x14300] =	vst v63  }
0x1c3: {  	_ = 	snop  }
0x1c4: {  	[tilespmem:s9], [sflag:$0x1] =	stream.indirect_vreg.gather [hbm4b:s8+s2], $0x80, v3, vm0, $0xb8;
	[tilespmem:$0x14300] =	vst v63  }
0x1c5: {  	v3 =	vld [tilespmem:s1+$0x30];
	_ =	sdelay $0x4  }
0x1c6: {  	v55 =	vshrl.u32 v3, $0x3  }
0x1c7: {  	v4 =	vmul.u32 $0x18, v55  }
0x1c8: {  	v3 =	vand.u32 $0x7, v3  }
0x1c9: {  	v3 =	vor.u32 v3, v4  }
0x1ca: {  	v4 =	vperm.xlane v3, v0;
	_ =	sdelay $0x1  }
0x1cb: {  	v3 =	vperm.xlane v3, v2;
	v4 =	vadd.s32 v1, v4;
	_ =	sdelay $0x1  }
0x1cc: {  	s9 =	sld [smem:$0x7FD];
	v3 =	vadd.s32 v1, v3;
	_ =	sdelay $0x2  }
0x1cd: {  	[tilespmem:s9], [sflag:$0x1] =	stream.indirect_vreg.gather [hbm4b:s8+s2], $0x80, v4, vm0, $0xb8;
	[tilespmem:$0x14300] =	vst v63  }
0x1ce: {  	_ = 	snop  }
0x1cf: {  	[tilespmem:s12], [sflag:$0x1] =	stream.indirect_vreg.gather [hbm4b:s8+s2], $0x80, v3, vm0, $0xb8;
	[tilespmem:$0x14300] =	vst v63  }
0x1d0: {  	v3 =	vld [tilespmem:s1+$0xFFFFFFC0];
	_ =	sdelay $0x4  }
0x1d1: {  	v56 =	vperm.xlane v3, v0;
	_ =	sdelay $0x1  }
0x1d2: {  	v3 =	vperm.xlane v3, v2;
	v4 =	vadd.s32 v1, v56;
	_ =	sdelay $0x1  }
0x1d3: {  	v3 =	vadd.s32 v1, v3;
	_ =	sdelay $0x2  }
0x1d4: {  	[tilespmem:s13], [sflag:$0x1] =	stream.indirect_vreg.gather [hbm4b:s5+s2], $0x80, v4, vm0, $0xb8;
	[tilespmem:$0x14300] =	vst v63  }
0x1d5: {  	_ = 	snop  }
0x1d6: {  	[tilespmem:s14], [sflag:$0x1] =	stream.indirect_vreg.gather [hbm4b:s5+s2], $0x80, v3, vm0, $0xb8;
	[tilespmem:$0x14300] =	vst v63  }
0x1d7: {  	v3 =	vld [tilespmem:s1+$0xFFFFFFD0];
	_ =	sdelay $0x4  }
0x1d8: {  	v57 =	vperm.xlane v3, v0;
	_ =	sdelay $0x1  }
0x1d9: {  	v3 =	vperm.xlane v3, v2;
	v4 =	vadd.s32 v1, v57;
	_ =	sdelay $0x1  }
0x1da: {  	v3 =	vadd.s32 v1, v3;
	_ =	sdelay $0x2  }
0x1db: {  	[tilespmem:s15], [sflag:$0x1] =	stream.indirect_vreg.gather [hbm4b:s5+s2], $0x80, v4, vm0, $0xb8;
	[tilespmem:$0x14300] =	vst v63  }
0x1dc: {  	_ = 	snop  }
0x1dd: {  	[tilespmem:s16], [sflag:$0x1] =	stream.indirect_vreg.gather [hbm4b:s5+s2], $0x80, v3, vm0, $0xb8;
	[tilespmem:$0x14300] =	vst v63  }
0x1de: {  	v3 =	vld [tilespmem:s1+$0xFFFFFFE0];
	_ =	sdelay $0x4  }
0x1df: {  	v58 =	vperm.xlane v3, v0;
	_ =	sdelay $0x1  }
0x1e0: {  	v3 =	vperm.xlane v3, v2;
	v4 =	vadd.s32 v1, v58;
	_ =	sdelay $0x1  }
0x1e1: {  	v3 =	vadd.s32 v1, v3;
	_ =	sdelay $0x2  }
0x1e2: {  	[tilespmem:s17], [sflag:$0x1] =	stream.indirect_vreg.gather [hbm4b:s5+s2], $0x80, v4, vm0, $0xb8;
	[tilespmem:$0x14300] =	vst v63  }
0x1e3: {  	_ = 	snop  }
0x1e4: {  	[tilespmem:s18], [sflag:$0x1] =	stream.indirect_vreg.gather [hbm4b:s5+s2], $0x80, v3, vm0, $0xb8;
	[tilespmem:$0x14300] =	vst v63  }
0x1e5: {  	v3 =	vld [tilespmem:s1+$0xFFFFFFF0];
	_ =	sdelay $0x4  }
0x1e6: {  	v59 =	vperm.xlane v3, v0;
	_ =	sdelay $0x1  }
0x1e7: {  	v3 =	vperm.xlane v3, v2;
	v4 =	vadd.s32 v1, v59;
	_ =	sdelay $0x1  }
0x1e8: {  	v3 =	vadd.s32 v1, v3;
	_ =	sdelay $0x2  }
0x1e9: {  	[tilespmem:s19], [sflag:$0x1] =	stream.indirect_vreg.gather [hbm4b:s5+s2], $0x80, v4, vm0, $0xb8;
	[tilespmem:$0x14300] =	vst v63  }
0x1ea: {  	_ = 	snop  }
0x1eb: {  	[tilespmem:s20], [sflag:$0x1] =	stream.indirect_vreg.gather [hbm4b:s5+s2], $0x80, v3, vm0, $0xb8;
	[tilespmem:$0x14300] =	vst v63  }
0x1ec: {  	v3 =	vld [tilespmem:s1+$0x0];
	_ =	sdelay $0x4  }
0x1ed: {  	v60 =	vperm.xlane v3, v0;
	_ =	sdelay $0x1  }
0x1ee: {  	v3 =	vperm.xlane v3, v2;
	v4 =	vadd.s32 v1, v60;
	_ =	sdelay $0x1  }
0x1ef: {  	v3 =	vadd.s32 v1, v3;
	_ =	sdelay $0x2  }
0x1f0: {  	[tilespmem:s21], [sflag:$0x1] =	stream.indirect_vreg.gather [hbm4b:s5+s2], $0x80, v4, vm0, $0xb8;
	[tilespmem:$0x14300] =	vst v63  }
0x1f1: {  	_ = 	snop  }
0x1f2: {  	[tilespmem:s22], [sflag:$0x1] =	stream.indirect_vreg.gather [hbm4b:s5+s2], $0x80, v3, vm0, $0xb8;
	[tilespmem:$0x14300] =	vst v63  }
0x1f3: {  	v3 =	vld [tilespmem:s1+$0x10];
	_ =	sdelay $0x4  }
0x1f4: {  	v61 =	vperm.xlane v3, v0;
	_ =	sdelay $0x1  }
0x1f5: {  	v3 =	vperm.xlane v3, v2;
	v4 =	vadd.s32 v1, v61;
	_ =	sdelay $0x1  }
0x1f6: {  	v3 =	vadd.s32 v1, v3;
	_ =	sdelay $0x2  }
0x1f7: {  	[tilespmem:s23], [sflag:$0x1] =	stream.indirect_vreg.gather [hbm4b:s5+s2], $0x80, v4, vm0, $0xb8;
	[tilespmem:$0x14300] =	vst v63  }
0x1f8: {  	_ = 	snop  }
0x1f9: {  	[tilespmem:s24], [sflag:$0x1] =	stream.indirect_vreg.gather [hbm4b:s5+s2], $0x80, v3, vm0, $0xb8;
	[tilespmem:$0x14300] =	vst v63  }
0x1fa: {  	v3 =	vld [tilespmem:s1+$0x20];
	_ =	sdelay $0x4  }
0x1fb: {  	v62 =	vperm.xlane v3, v0;
	_ =	sdelay $0x1  }
0x1fc: {  	v3 =	vperm.xlane v3, v2;
	v4 =	vadd.s32 v1, v62;
	_ =	sdelay $0x1  }
0x1fd: {  	v3 =	vadd.s32 v1, v3;
	_ =	sdelay $0x2  }
0x1fe: {  	[tilespmem:s25], [sflag:$0x1] =	stream.indirect_vreg.gather [hbm4b:s5+s2], $0x80, v4, vm0, $0xb8;
	[tilespmem:$0x14300] =	vst v63  }
0x1ff: {  	_ = 	snop  }
0x200: {  	[tilespmem:s26], [sflag:$0x1] =	stream.indirect_vreg.gather [hbm4b:s5+s2], $0x80, v3, vm0, $0xb8;
	[tilespmem:$0x14300] =	vst v63  }
0x201: {  	v3 =	vld [tilespmem:s1+$0x30];
	_ =	sdelay $0x4  }
0x202: {  	v63 =	vperm.xlane v3, v0;
	_ =	sdelay $0x1  }
0x203: {  	v3 =	vperm.xlane v3, v2;
	v4 =	vadd.s32 v1, v63;
	_ =	sdelay $0x1  }
0x204: {  	v3 =	vadd.s32 v1, v3;
	_ =	sdelay $0x2  }
0x205: {  	[tilespmem:s28], [sflag:$0x1] =	stream.indirect_vreg.gather [hbm4b:s5+s2], $0x80, v4, vm0, $0xb8;
	[tilespmem:$0x14300] =	vst v63  }
0x206: {  	_ = 	snop  }
0x207: {  	[tilespmem:s29], [sflag:$0x1] =	stream.indirect_vreg.gather [hbm4b:s5+s2], $0x80, v3, vm0, $0xb8;
	[tilespmem:$0x14300] =	vst v63  }
0x208: {  	_ =	swait.ge [sflag:s30], $0x4000  }
0x209: {  	[sflag:s30] =	ssyncset.done $0x0  }
0x20a: {  	[sflag:s30] =	ssyncadd.s32 $0xFFFFC000  }
0x20b: {  	_ =	swait.ge [sflag:s30], $0x4000  }
0x20c: {  	[sflag:s30] =	ssyncset.done $0x0  }
0x20d: {  	[sflag:s30] =	ssyncadd.s32 $0xFFFFC000  }
0x20e: {  	_ =	swait.ge [sflag:s30], $0x4000  }
0x20f: {  	[sflag:s30] =	ssyncset.done $0x0  }
0x210: {  	[sflag:s30] =	ssyncadd.s32 $0xFFFFC000  }
0x211: {  	_ =	swait.ge [sflag:s30], $0x4000  }
0x212: {  	[sflag:s30] =	ssyncset.done $0x0  }
0x213: {  	[sflag:s30] =	ssyncadd.s32 $0xFFFFC000  }
0x214: {  	_ =	swait.ge [sflag:s30], $0x4000  }
0x215: {  	p0 =	sne.s32 s0, $0xC800;
	s9 =	rddreg [dreg:$0x2];
	[sflag:s30] =	ssyncset.done $0x0  }
.Ltmp0:
0x216: {  	[sflag:s30] =	ssyncadd.s32 $0xFFFFC000;
	s6 =	sadd.s32 s0, s9;
	(pc) =	sbr.rel @p0 .LBB2_2-.Ltmp0, $4  }
0x217: {  	[hbm4b:s6+s2] =	stream.linear.scatter [tilespmem:s11], [sflag:$0x2], $0x14000, $0x38;
	[tilespmem:$0x14300] =	vst v63  }
0x218: {  	_ =	swait.ge [sflag:s10], $0x14000  }
0x219: {  	[sflag:s10] =	ssyncset.done $0x0  }
0x21a: {  	s1 =	sadd.s32 $0x80, s1;
	s0 =	sadd.s32 $0x2800, s0;
	[sflag:s10] =	ssyncadd.s32 $0xFFFEC000  }
0x21b: {  	s0 =	sld [smem:$0x7FA];
	_ =	sdelay $0x1  }
0x21c: {  	s31 =	sadd.s32 $0x1, s31  }
0x21d: {  	p0 =	sne.s32 s31, s0  }
.Ltmp1:
0x21e: {  	_ = 	snop;
	(pc) =	sbr.rel @p0 .LBB2_1-.Ltmp1, $1  }
0x21f: {  	_ =	sdelay $0x3  }
0x220: {  	_ =	sfence.sel $0x180000  }
0x221: {  	[bflag:$0x0] =	sbarrier.arrive $0xFFFF  }
0x222: {  	_ =	strace $0x90000047  }
0x223: {  	s0 =	stileid.u32;
	[bflag:$0x2] =	sbarrier.arrive $0xFFFF  }
0x224: {  	p0 =	sne.s32 s0, $0x0;
	s0 =	rddreg [dreg:$0x1]  }
0x225: {  	s0 =	sadd.s32 @!p0 $0x100000, s0  }
0x226: {  	[sflag:s0] =	ssyncadd.tile.s32 @!p0 $0x1;
	_ =	shalt  }
.Lfunc_end2:
_tile_overlayer_lowered:
.L_overlay_start_2:
0x227: {  	(tag) =	ssettag $0x2  }
0x228: {  	s0 =	rddreg [dreg:$0x0];
	s2 =	stileid.u32  }
0x229: {  	s1 =	rddreg [dreg:$0x1];
	p0 =	sne.s32 s2, $0x0  }
0x22a: {  	s3 =	rddreg [dreg:$0x2];
	[bflag:$0x3] =	sbarrier.arrive $0xFFFF;
	s2 =	simm.s32 @!p0 $0x1C02  }
0x22b: {  	[timem:s3], [sflag:s2] =	dma.local @!p0 [hbm:s0], s1  }
0x22c: {  	s0 =	simm.s32 @!p0 $0x2  }
0x22d: {  	_ =	swait.ge @!p0 [sflag:s0], s1  }
0x22e: {  	s1 =	ssub.s32 @!p0 $0x0, s1;
	[sflag:s0] =	ssyncset.done @!p0 $0x0  }
0x22f: {  	[sflag:s0] =	ssyncadd.s32 @!p0 s1  }
0x230: {  	[bflag:$0x3] =	sbarrier.arrive $0xFFFF  }
0x231: {  	_ =	shalt  }

</sc_bundles>
